<compile_context>
chip_gen: v7x
topology: tpu7x:2x2x1
jax: 0.10.2.dev20260603
libtpu: 0.0.44.dev20260713+nightly
codegen_flags: <defaults>
</compile_context>

<pallas_src>
import functools

import numpy as np
import jax
import jax.numpy as jnp
from jax import lax
from jax.experimental import pallas as pl
from jax.experimental.pallas import tpu as pltpu
from jax.experimental.pallas import tpu_sc as plsc

POS_RADIUS = 0.1
NEG_RADIUS = 0.2
TRIPLET_MARGIN = 1.0
MAX_ANCHOR = 1024
MAX_DST = 8192
VOTING_START = 0

_N = 20000
_rng = np.random.RandomState(0)
_PERM_SRC = np.ascontiguousarray(_rng.permutation(_N)[:MAX_ANCHOR].astype(np.int32))
_PERM_DST = np.ascontiguousarray(_rng.permutation(_N)[:MAX_DST].astype(np.int32))

_NN_BLK = 5000
_NEG_BLK = 4096

_NW = 32
_BS = MAX_ANCHOR // _NW
_BD = MAX_DST // _NW
_BS3 = _BS * 3
_BD3 = _BD * 3
_IDXP_SRC = np.ascontiguousarray(
    (_PERM_SRC[None, :] * 3 + np.arange(3)[:, None]).reshape(-1).astype(np.int32))
_IDXP_DST = np.ascontiguousarray(
    (_PERM_DST[None, :] * 3 + np.arange(3)[:, None]).reshape(-1).astype(np.int32))

_SC_MESH = dict(core_axis_name="c", subcore_axis_name="s")
_SC_PARAMS = dict(
    mesh=plsc.VectorSubcoreMesh(**_SC_MESH),
    compiler_params=pltpu.CompilerParams(use_tc_tiling_on_sc=False),
)


def _sc_gather_srcside(src_flat, src_scores):
    psp = jnp.asarray(_IDXP_SRC)
    ps = jnp.asarray(_PERM_SRC)

    @functools.partial(
        pl.kernel,
        out_type=[
            jax.ShapeDtypeStruct((3 * MAX_ANCHOR,), jnp.float32),
            jax.ShapeDtypeStruct((MAX_ANCHOR,), jnp.float32),
        ],
        scratch_types=[
            pltpu.VMEM((_BS3,), jnp.int32),
            pltpu.VMEM((_BS3,), jnp.float32),
            pltpu.VMEM((_BS,), jnp.int32),
            pltpu.VMEM((_BS,), jnp.float32),
            pltpu.SemaphoreType.DMA,
        ],
        **_SC_PARAMS,
    )
    def k(sflat, sscore, psp_h, ps_h, o_pcs, o_ss,
          ipsp, b_pcs, ips, b_ss, sem):
        wid = lax.axis_index("s") * 2 + lax.axis_index("c")
        b3 = wid * _BS3
        b1 = wid * _BS
        pltpu.sync_copy(psp_h.at[pl.ds(b3, _BS3)], ipsp)
        pltpu.sync_copy(ps_h.at[pl.ds(b1, _BS)], ips)
        pltpu.async_copy(sflat.at[ipsp], b_pcs, sem).wait()
        pltpu.sync_copy(b_pcs, o_pcs.at[pl.ds(b3, _BS3)])
        pltpu.async_copy(sscore.at[ips], b_ss, sem).wait()
        pltpu.sync_copy(b_ss, o_ss.at[pl.ds(b1, _BS)])

    pcs_f, ss = k(src_flat, src_scores, psp, ps)
    return jnp.reshape(pcs_f, (3, MAX_ANCHOR)), ss


def _sc_gather_dstside(dst_flat):
    pdp = jnp.asarray(_IDXP_DST)

    @functools.partial(
        pl.kernel,
        out_type=jax.ShapeDtypeStruct((3 * MAX_DST,), jnp.float32),
        scratch_types=[
            pltpu.VMEM((_BD3,), jnp.int32),
            pltpu.VMEM((_BD3,), jnp.float32),
            pltpu.SemaphoreType.DMA,
        ],
        **_SC_PARAMS,
    )
    def k(dflat, pdp_h, o_pcd, ipdp, b_pcd, sem):
        wid = lax.axis_index("s") * 2 + lax.axis_index("c")
        b3 = wid * _BD3
        pltpu.sync_copy(pdp_h.at[pl.ds(b3, _BD3)], ipdp)
        pltpu.async_copy(dflat.at[ipdp], b_pcd, sem).wait()
        pltpu.sync_copy(b_pcd, o_pcd.at[pl.ds(b3, _BD3)])

    pcd_f = k(dst_flat, pdp)
    return jnp.reshape(pcd_f, (3, MAX_DST))


def _sc_gather_dstdesc(dst_desc, dst_scores, nn):
    pd = jnp.asarray(_PERM_DST)

    @functools.partial(
        pl.kernel,
        out_type=[
            jax.ShapeDtypeStruct((MAX_DST, 64), jnp.float32),
            jax.ShapeDtypeStruct((MAX_ANCHOR, 64), jnp.float32),
            jax.ShapeDtypeStruct((MAX_ANCHOR,), jnp.float32),
        ],
        scratch_types=[
            pltpu.VMEM((_BD,), jnp.int32),
            pltpu.VMEM((_BD, 64), jnp.float32),
            pltpu.VMEM((_BS,), jnp.int32),
            pltpu.VMEM((_BS, 64), jnp.float32),
            pltpu.VMEM((_BS,), jnp.float32),
            pltpu.SemaphoreType.DMA,
        ],
        **_SC_PARAMS,
    )
    def k(ddesc, dscore, pd_h, nn_h, o_dds, o_pos, o_ns,
          ipd, b_dds, inn, b_pos, b_ns, sem):
        wid = lax.axis_index("s") * 2 + lax.axis_index("c")
        b2 = wid * _BD
        b1 = wid * _BS
        pltpu.sync_copy(pd_h.at[pl.ds(b2, _BD)], ipd)
        pltpu.sync_copy(nn_h.at[pl.ds(b1, _BS)], inn)
        pltpu.async_copy(ddesc.at[ipd], b_dds, sem).wait()
        pltpu.sync_copy(b_dds, o_dds.at[pl.ds(b2, _BD)])
        pltpu.async_copy(ddesc.at[inn], b_pos, sem).wait()
        pltpu.sync_copy(b_pos, o_pos.at[pl.ds(b1, _BS)])
        pltpu.async_copy(dscore.at[inn], b_ns, sem).wait()
        pltpu.sync_copy(b_ns, o_ns.at[pl.ds(b1, _BS)])

    return k(dst_desc, dst_scores, pd, nn)


def _nn_kernel(a_ref, b_ref, mind_ref, idx_ref):
    j = pl.program_id(0)
    a = a_ref[...]
    b = b_ref[...]
    sa = jnp.sum(a * a, axis=0)
    sb = jnp.sum(b * b, axis=1)
    prod = lax.dot_general(a * -2.0, b, (((0,), (1,)), ((), ())),
                           preferred_element_type=jnp.float32)
    d2 = (sa[:, None] + sb[None, :]) + prod
    d = jnp.sqrt(jnp.maximum(d2, 1e-12))
    col = j * _NN_BLK + lax.broadcasted_iota(jnp.int32, d.shape, 1)
    blk_min = jnp.min(d, axis=1)
    blk_idx = jnp.min(jnp.where(d == blk_min[:, None], col, _N), axis=1)

    @pl.when(j == 0)
    def _():
        mind_ref[...] = blk_min
        idx_ref[...] = blk_idx

    @pl.when(j > 0)
    def _():
        prev = mind_ref[...]
        better = blk_min < prev
        mind_ref[...] = jnp.where(better, blk_min, prev)
        idx_ref[...] = jnp.where(better, blk_idx, idx_ref[...])


def _nn_search(pc_srcT, dst_xyz):
    grid = _N // _NN_BLK
    mind, idx = pl.pallas_call(
        _nn_kernel,
        grid=(grid,),
        in_specs=[
            pl.BlockSpec((3, MAX_ANCHOR), lambda j: (0, 0)),
            pl.BlockSpec((_NN_BLK, 3), lambda j: (j, 0)),
        ],
        out_specs=[
            pl.BlockSpec((MAX_ANCHOR,), lambda j: (0,)),
            pl.BlockSpec((MAX_ANCHOR,), lambda j: (0,)),
        ],
        out_shape=[
            jax.ShapeDtypeStruct((MAX_ANCHOR,), jnp.float32),
            jax.ShapeDtypeStruct((MAX_ANCHOR,), jnp.int32),
        ],
    )(pc_srcT, dst_xyz)
    return mind, idx


def _negmin_kernel(a_ref, ad_ref, b_ref, bd_ref,
                   pos_ref, ss_ref, ns_ref, nnd_ref, out_ref, negmin_ref):
    j = pl.program_id(0)
    a = a_ref[...]
    b = b_ref[...]
    ad = ad_ref[...]
    bd = bd_ref[...]
    sa = jnp.sum(a * a, axis=0)
    sad = jnp.sum(ad * ad, axis=1)
    sb = jnp.sum(b * b, axis=0)
    sbd = jnp.sum(bd * bd, axis=1)

    prod_x = lax.dot_general(a * -2.0, b, (((0,), (0,)), ((), ())),
                             preferred_element_type=jnp.float32)
    dist2 = (sa[:, None] + sb[None, :]) + prod_x
    dist = jnp.sqrt(jnp.maximum(dist2, 1e-12))

    prod_d = lax.dot_general(ad * -2.0, bd, (((1,), (1,)), ((), ())),
                             preferred_element_type=jnp.float32)
    desc2 = (sad[:, None] + sbd[None, :]) + prod_d
    desc = jnp.sqrt(jnp.maximum(desc2, 1e-12))
    desc = desc + jnp.where(dist < NEG_RADIUS, 1e10, 0.0)
    blk_min = jnp.min(desc, axis=1)

    @pl.when(j == 0)
    def _():
        negmin_ref[...] = blk_min

    @pl.when(j > 0)
    def _():
        negmin_ref[...] = jnp.minimum(negmin_ref[...], blk_min)

    @pl.when(j == pl.num_programs(0) - 1)
    def _():
        negative_min = negmin_ref[...]
        pos = pos_ref[...]
        diff = ad - pos
        positive_max = jnp.sqrt(jnp.sum(diff * diff, axis=1) + 1e-12)
        p_n_diff = positive_max - negative_min
        nnd = nnd_ref[...]
        maskf = (nnd < POS_RADIUS).astype(jnp.float32)
        count = jnp.sum(maskf)
        sel_sigma = (ss_ref[...] + ns_ref[...]) * 0.5
        desc_loss = jnp.sum(jnp.maximum(p_n_diff + TRIPLET_MARGIN, 0.0) * maskf)
        score_loss = jnp.sum(sel_sigma * p_n_diff * maskf)
        loss = (desc_loss + score_loss) / count
        loss = jnp.where(count < float(MAX_ANCHOR // 2), 0.0, loss)
        out_ref[...] = loss.reshape(1, 1)


def _negmin_loss(pc_srcT, anc_desc, pc_dstT, desc_dst_sub,
                 pos_desc, s_src, s_nn, nn_d):
    grid = MAX_DST // _NEG_BLK
    out = pl.pallas_call(
        _negmin_kernel,
        grid=(grid,),
        in_specs=[
            pl.BlockSpec((3, MAX_ANCHOR), lambda j: (0, 0)),
            pl.BlockSpec((MAX_ANCHOR, 64), lambda j: (0, 0)),
            pl.BlockSpec((3, _NEG_BLK), lambda j: (0, j)),
            pl.BlockSpec((_NEG_BLK, 64), lambda j: (j, 0)),
            pl.BlockSpec((MAX_ANCHOR, 64), lambda j: (0, 0)),
            pl.BlockSpec((MAX_ANCHOR,), lambda j: (0,)),
            pl.BlockSpec((MAX_ANCHOR,), lambda j: (0,)),
            pl.BlockSpec((MAX_ANCHOR,), lambda j: (0,)),
        ],
        out_specs=pl.BlockSpec((1, 1), lambda j: (0, 0)),
        out_shape=jax.ShapeDtypeStruct((1, 1), jnp.float32),
        scratch_shapes=[pltpu.VMEM((MAX_ANCHOR,), jnp.float32)],
    )(pc_srcT, anc_desc, pc_dstT, desc_dst_sub,
      pos_desc, s_src, s_nn, nn_d)
    return out[0, 0]


def kernel(src_xyz, src_desc, src_scores, dst_xyz, dst_desc, dst_scores, epoch):
    src_flat = jnp.reshape(src_xyz, (-1,))
    dst_flat = jnp.reshape(dst_xyz, (-1,))
    pc_srcT, s_src = _sc_gather_srcside(src_flat, src_scores)
    anc_desc = src_desc[_PERM_SRC]
    pc_dstT = _sc_gather_dstside(dst_flat)

    nn_d, nn = _nn_search(pc_srcT, dst_xyz)

    desc_dst_sub, pos_desc, s_nn = _sc_gather_dstdesc(dst_desc, dst_scores, nn)

    loss = _negmin_loss(pc_srcT, anc_desc, pc_dstT, desc_dst_sub,
                        pos_desc, s_src, s_nn, nn_d)
    out = jnp.where(jnp.asarray(epoch) <= VOTING_START, 0.0, loss)
    return out.astype(jnp.float32)

# --- scband reference (transcript-rebuilt; emitter-appended) ---
"""Pipeline reference for scband-vote-loss-26688926777523 (READ-ONLY COPY).

The authoritative reference and input builder live on the scoring server;
editing this copy changes nothing except your own understanding.
"""

import jax, jax.numpy as jnp
import numpy as np

POS_RADIUS = 0.1
NEG_RADIUS = 0.2
TRIPLET_MARGIN = 1.0
MAX_ANCHOR = 1024
MAX_DST = 8192
DESC_W = 1.0
SCORE_W = 1.0
VOTING_START = 0


def _cdist(a, b):
    d2 = jnp.sum(a * a, axis=1)[:, None] + jnp.sum(b * b, axis=1)[None, :] - 2.0 * (a @ b.T)
    return jnp.sqrt(jnp.maximum(d2, 1e-12))


def setup_inputs(seed: int = 0):
    key = jax.random.key(seed)
    ks = jax.random.split(key, 6)
    N, D = 20000, 64
    return {
        "src_xyz": jax.random.uniform(ks[0], (N, 3), dtype=jnp.float32),
        "src_desc": jax.random.normal(ks[1], (N, D), dtype=jnp.float32),
        "src_scores": jax.random.uniform(ks[2], (N,), dtype=jnp.float32),
        "dst_xyz": jax.random.uniform(ks[3], (N, 3), dtype=jnp.float32),
        "dst_desc": jax.random.normal(ks[4], (N, D), dtype=jnp.float32),
        "dst_scores": jax.random.uniform(ks[5], (N,), dtype=jnp.float32),
        "epoch": 10,
    }


def _indices(src_xyz, dst_xyz):
    # deterministic stand-in for torch.randperm subsampling
    rng = np.random.RandomState(0)
    perm_src = rng.permutation(src_xyz.shape[0])[:MAX_ANCHOR]
    perm_dst = rng.permutation(dst_xyz.shape[0])[:MAX_DST]
    pc_src = src_xyz[perm_src]
    # get_matching_indices: nearest dst neighbor within positive radius
    d = _cdist(pc_src, dst_xyz)
    nn = jnp.argmin(d, axis=1)
    nn_d = jnp.take_along_axis(d, nn[:, None], axis=1)[:, 0]
    mask = nn_d < POS_RADIUS
    return perm_src, perm_dst, nn, mask


def reference(src_xyz, src_desc, src_scores, dst_xyz, dst_desc, dst_scores, epoch):
    perm_src, perm_dst, nn, mask = _indices(src_xyz, dst_xyz)
    count = jnp.sum(mask)
    pc_src_m = src_xyz[perm_src]
    anc_desc = src_desc[perm_src]
    pos_desc = dst_desc[nn]
    pc_dst_sub = dst_xyz[perm_dst]
    desc_dst_sub = dst_desc[perm_dst]
    dist_diff = _cdist(pc_src_m, pc_dst_sub)
    desc_diff = _cdist(anc_desc, desc_dst_sub)
    desc_diff_clone = desc_diff + jnp.where(dist_diff < NEG_RADIUS, 1e10, 0.0)
    negative_min = jnp.min(desc_diff_clone, axis=1)
    positive_max = jnp.sqrt(jnp.sum((anc_desc - pos_desc) ** 2, axis=1) + 1e-12)
    p_n_diff = positive_max - negative_min
    maskf = mask.astype(jnp.float32)
    denom = count.astype(jnp.float32)
    desc_loss = jnp.sum(jax.nn.relu(p_n_diff + TRIPLET_MARGIN) * maskf) / denom
    sel_sigma = (src_scores[perm_src] + dst_scores[nn]) / 2.0
    score_loss = jnp.sum(sel_sigma * p_n_diff * maskf) / denom
    loss = DESC_W * desc_loss + SCORE_W * score_loss
    loss = jnp.where(count < MAX_ANCHOR // 2, jnp.zeros((), dtype=jnp.float32), loss)
    out = jnp.where(jnp.asarray(epoch) <= VOTING_START, jnp.zeros((), dtype=jnp.float32), loss)
    return out.astype(jnp.float32)

if __name__ == "__main__":
    import jax
    _d = setup_inputs()
    print(jax.jit(kernel)(*tuple(_d.values())))

</pallas_src>

<mosaic_0001>
#map = affine_map<(d0, d1) -> (0)>
module attributes {stable_mosaic.version = 14 : i64} {
  func.func @k(%arg0: i32, %arg1: i32, %arg2: memref<60000xf32, #tpu.memory_space<hbm>>, %arg3: memref<20000xf32, #tpu.memory_space<hbm>>, %arg4: memref<3072xi32, #tpu.memory_space<hbm>>, %arg5: memref<1024xi32, #tpu.memory_space<hbm>>, %arg6: memref<3072xf32, #tpu.memory_space<hbm>>, %arg7: memref<1024xf32, #tpu.memory_space<hbm>>, %arg8: memref<96xi32, #tpu.memory_space<vmem>>, %arg9: memref<96xf32, #tpu.memory_space<vmem>>, %arg10: memref<32xi32, #tpu.memory_space<vmem>>, %arg11: memref<32xf32, #tpu.memory_space<vmem>>, %arg12: memref<!tpu.dma_semaphore, #tpu.memory_space<semaphore_mem>>) attributes {dimension_semantics = [#tpu.dimension_semantics<core_parallel>, #tpu.dimension_semantics<subcore_parallel>], iteration_bounds = array<i64: 2, 16>, scalar_prefetch = 0 : i64, scratch_operands = 5 : i64, tpu.core_type = #tpu.core_type<sc_vector_subcore>, window_params = [{transform_indices = #map}, {transform_indices = #map}, {transform_indices = #map}, {transform_indices = #map}, {transform_indices = #map}, {transform_indices = #map}]} {
    %mul3A = arith.constant 2 : i32
    %mul3A_0 = arith.muli %arg1, %mul3A : i32
    %add3A = arith.addi %mul3A_0, %arg0 : i32
    %mul3A_1 = arith.constant 96 : i32
    %mul3A_2 = arith.muli %add3A, %mul3A_1 : i32
    %mul3A_3 = arith.constant 32 : i32
    %mul3A_4 = arith.muli %add3A, %mul3A_3 : i32
    "tpu.region"() ({
      %run_scoped3A = tpu.sem_alloc : memref<!tpu.dma_semaphore, #tpu.memory_space<semaphore_mem>>
      %dma_start3A_11 = tpu.memref_slice %arg4[%mul3A_2] : memref<3072xi32, #tpu.memory_space<hbm>> -> memref<96xi32, #tpu.memory_space<hbm>>
      %dma_start3A_12 = tpu.memref_slice %arg4[%mul3A_2] : memref<3072xi32, #tpu.memory_space<hbm>> -> memref<96xi32, #tpu.memory_space<hbm>>
      tpu.enqueue_dma source(%dma_start3A_12 : memref<96xi32, #tpu.memory_space<hbm>>) target(%arg8 : memref<96xi32, #tpu.memory_space<vmem>>) target_semaphore(%run_scoped3A : memref<!tpu.dma_semaphore, #tpu.memory_space<semaphore_mem>>)
      %dma_wait3A_13 = tpu.memref_slice %arg4[%mul3A_2] : memref<3072xi32, #tpu.memory_space<hbm>> -> memref<96xi32, #tpu.memory_space<hbm>>
      %dma_wait3A_14 = tpu.memref_slice %arg4[%mul3A_2] : memref<3072xi32, #tpu.memory_space<hbm>> -> memref<96xi32, #tpu.memory_space<hbm>>
      tpu.wait_dma2 semaphore(%run_scoped3A : memref<!tpu.dma_semaphore, #tpu.memory_space<semaphore_mem>>) src(%dma_wait3A_14 : memref<96xi32, #tpu.memory_space<hbm>>) dst(%arg8 : memref<96xi32, #tpu.memory_space<vmem>>)
      tpu.yield
    }) : () -> ()
    "tpu.region"() ({
      %run_scoped3A = tpu.sem_alloc : memref<!tpu.dma_semaphore, #tpu.memory_space<semaphore_mem>>
      %dma_start3A_11 = tpu.memref_slice %arg5[%mul3A_4] : memref<1024xi32, #tpu.memory_space<hbm>> -> memref<32xi32, #tpu.memory_space<hbm>>
      %dma_start3A_12 = tpu.memref_slice %arg5[%mul3A_4] : memref<1024xi32, #tpu.memory_space<hbm>> -> memref<32xi32, #tpu.memory_space<hbm>>
      tpu.enqueue_dma source(%dma_start3A_12 : memref<32xi32, #tpu.memory_space<hbm>>) target(%arg10 : memref<32xi32, #tpu.memory_space<vmem>>) target_semaphore(%run_scoped3A : memref<!tpu.dma_semaphore, #tpu.memory_space<semaphore_mem>>)
      %dma_wait3A_13 = tpu.memref_slice %arg5[%mul3A_4] : memref<1024xi32, #tpu.memory_space<hbm>> -> memref<32xi32, #tpu.memory_space<hbm>>
      %dma_wait3A_14 = tpu.memref_slice %arg5[%mul3A_4] : memref<1024xi32, #tpu.memory_space<hbm>> -> memref<32xi32, #tpu.memory_space<hbm>>
      tpu.wait_dma2 semaphore(%run_scoped3A : memref<!tpu.dma_semaphore, #tpu.memory_space<semaphore_mem>>) src(%dma_wait3A_14 : memref<32xi32, #tpu.memory_space<hbm>>) dst(%arg10 : memref<32xi32, #tpu.memory_space<vmem>>)
      tpu.yield
    }) : () -> ()
    %dma_start3A = arith.constant 0 : i32
    %dma_start3A_5 = tpu.memref_slice %arg2[%dma_start3A] : memref<60000xf32, #tpu.memory_space<hbm>> -> memref<60000xf32, #tpu.memory_space<hbm>>
    tpu.enqueue_indirect_dma source(%dma_start3A_5 : memref<60000xf32, #tpu.memory_space<hbm>>) target(%arg9 : memref<96xf32, #tpu.memory_space<vmem>>) offsets(%arg8 : memref<96xi32, #tpu.memory_space<vmem>>) semaphore(%arg12 : memref<!tpu.dma_semaphore, #tpu.memory_space<semaphore_mem>>)
    %dma_wait3A = arith.constant 0 : i32
    %dma_wait3A_6 = tpu.memref_slice %arg2[%dma_wait3A] : memref<60000xf32, #tpu.memory_space<hbm>> -> memref<60000xf32, #tpu.memory_space<hbm>>
    tpu.wait_indirect_dma semaphore(%arg12 : memref<!tpu.dma_semaphore, #tpu.memory_space<semaphore_mem>>) src(%dma_wait3A_6 : memref<60000xf32, #tpu.memory_space<hbm>>) dst(%arg9 : memref<96xf32, #tpu.memory_space<vmem>>)
    "tpu.region"() ({
      %run_scoped3A = tpu.sem_alloc : memref<!tpu.dma_semaphore, #tpu.memory_space<semaphore_mem>>
      %dma_start3A_11 = tpu.memref_slice %arg6[%mul3A_2] : memref<3072xf32, #tpu.memory_space<hbm>> -> memref<96xf32, #tpu.memory_space<hbm>>
      %dma_start3A_12 = tpu.memref_slice %arg6[%mul3A_2] : memref<3072xf32, #tpu.memory_space<hbm>> -> memref<96xf32, #tpu.memory_space<hbm>>
      tpu.enqueue_dma source(%arg9 : memref<96xf32, #tpu.memory_space<vmem>>) target(%dma_start3A_12 : memref<96xf32, #tpu.memory_space<hbm>>) target_semaphore(%run_scoped3A : memref<!tpu.dma_semaphore, #tpu.memory_space<semaphore_mem>>)
      %dma_wait3A_13 = tpu.memref_slice %arg6[%mul3A_2] : memref<3072xf32, #tpu.memory_space<hbm>> -> memref<96xf32, #tpu.memory_space<hbm>>
      %dma_wait3A_14 = tpu.memref_slice %arg6[%mul3A_2] : memref<3072xf32, #tpu.memory_space<hbm>> -> memref<96xf32, #tpu.memory_space<hbm>>
      tpu.wait_dma2 semaphore(%run_scoped3A : memref<!tpu.dma_semaphore, #tpu.memory_space<semaphore_mem>>) src(%arg9 : memref<96xf32, #tpu.memory_space<vmem>>) dst(%dma_wait3A_14 : memref<96xf32, #tpu.memory_space<hbm>>)
      tpu.yield
    }) : () -> ()
    %dma_start3A_7 = arith.constant 0 : i32
    %dma_start3A_8 = tpu.memref_slice %arg3[%dma_start3A_7] : memref<20000xf32, #tpu.memory_space<hbm>> -> memref<20000xf32, #tpu.memory_space<hbm>>
    tpu.enqueue_indirect_dma source(%dma_start3A_8 : memref<20000xf32, #tpu.memory_space<hbm>>) target(%arg11 : memref<32xf32, #tpu.memory_space<vmem>>) offsets(%arg10 : memref<32xi32, #tpu.memory_space<vmem>>) semaphore(%arg12 : memref<!tpu.dma_semaphore, #tpu.memory_space<semaphore_mem>>)
    %dma_wait3A_9 = arith.constant 0 : i32
    %dma_wait3A_10 = tpu.memref_slice %arg3[%dma_wait3A_9] : memref<20000xf32, #tpu.memory_space<hbm>> -> memref<20000xf32, #tpu.memory_space<hbm>>
    tpu.wait_indirect_dma semaphore(%arg12 : memref<!tpu.dma_semaphore, #tpu.memory_space<semaphore_mem>>) src(%dma_wait3A_10 : memref<20000xf32, #tpu.memory_space<hbm>>) dst(%arg11 : memref<32xf32, #tpu.memory_space<vmem>>)
    "tpu.region"() ({
      %run_scoped3A = tpu.sem_alloc : memref<!tpu.dma_semaphore, #tpu.memory_space<semaphore_mem>>
      %dma_start3A_11 = tpu.memref_slice %arg7[%mul3A_4] : memref<1024xf32, #tpu.memory_space<hbm>> -> memref<32xf32, #tpu.memory_space<hbm>>
      %dma_start3A_12 = tpu.memref_slice %arg7[%mul3A_4] : memref<1024xf32, #tpu.memory_space<hbm>> -> memref<32xf32, #tpu.memory_space<hbm>>
      tpu.enqueue_dma source(%arg11 : memref<32xf32, #tpu.memory_space<vmem>>) target(%dma_start3A_12 : memref<32xf32, #tpu.memory_space<hbm>>) target_semaphore(%run_scoped3A : memref<!tpu.dma_semaphore, #tpu.memory_space<semaphore_mem>>)
      %dma_wait3A_13 = tpu.memref_slice %arg7[%mul3A_4] : memref<1024xf32, #tpu.memory_space<hbm>> -> memref<32xf32, #tpu.memory_space<hbm>>
      %dma_wait3A_14 = tpu.memref_slice %arg7[%mul3A_4] : memref<1024xf32, #tpu.memory_space<hbm>> -> memref<32xf32, #tpu.memory_space<hbm>>
      tpu.wait_dma2 semaphore(%run_scoped3A : memref<!tpu.dma_semaphore, #tpu.memory_space<semaphore_mem>>) src(%arg11 : memref<32xf32, #tpu.memory_space<vmem>>) dst(%dma_wait3A_14 : memref<32xf32, #tpu.memory_space<hbm>>)
      tpu.yield
    }) : () -> ()
    return
  }
}

#map = affine_map<(d0, d1) -> (0)>
module attributes {stable_mosaic.version = 14 : i64} {
  func.func @k(%arg0: i32, %arg1: i32, %arg2: memref<60000xf32, #tpu.memory_space<hbm>>, %arg3: memref<24576xi32, #tpu.memory_space<hbm>>, %arg4: memref<24576xf32, #tpu.memory_space<hbm>>, %arg5: memref<768xi32, #tpu.memory_space<vmem>>, %arg6: memref<768xf32, #tpu.memory_space<vmem>>, %arg7: memref<!tpu.dma_semaphore, #tpu.memory_space<semaphore_mem>>) attributes {dimension_semantics = [#tpu.dimension_semantics<core_parallel>, #tpu.dimension_semantics<subcore_parallel>], iteration_bounds = array<i64: 2, 16>, scalar_prefetch = 0 : i64, scratch_operands = 3 : i64, tpu.core_type = #tpu.core_type<sc_vector_subcore>, window_params = [{transform_indices = #map}, {transform_indices = #map}, {transform_indices = #map}]} {
    %mul3A = arith.constant 2 : i32
    %mul3A_0 = arith.muli %arg1, %mul3A : i32
    %add3A = arith.addi %mul3A_0, %arg0 : i32
    %mul3A_1 = arith.constant 768 : i32
    %mul3A_2 = arith.muli %add3A, %mul3A_1 : i32
    "tpu.region"() ({
      %run_scoped3A = tpu.sem_alloc : memref<!tpu.dma_semaphore, #tpu.memory_space<semaphore_mem>>
      %dma_start3A_5 = tpu.memref_slice %arg3[%mul3A_2] : memref<24576xi32, #tpu.memory_space<hbm>> -> memref<768xi32, #tpu.memory_space<hbm>>
      %dma_start3A_6 = tpu.memref_slice %arg3[%mul3A_2] : memref<24576xi32, #tpu.memory_space<hbm>> -> memref<768xi32, #tpu.memory_space<hbm>>
      tpu.enqueue_dma source(%dma_start3A_6 : memref<768xi32, #tpu.memory_space<hbm>>) target(%arg5 : memref<768xi32, #tpu.memory_space<vmem>>) target_semaphore(%run_scoped3A : memref<!tpu.dma_semaphore, #tpu.memory_space<semaphore_mem>>)
      %dma_wait3A_7 = tpu.memref_slice %arg3[%mul3A_2] : memref<24576xi32, #tpu.memory_space<hbm>> -> memref<768xi32, #tpu.memory_space<hbm>>
      %dma_wait3A_8 = tpu.memref_slice %arg3[%mul3A_2] : memref<24576xi32, #tpu.memory_space<hbm>> -> memref<768xi32, #tpu.memory_space<hbm>>
      tpu.wait_dma2 semaphore(%run_scoped3A : memref<!tpu.dma_semaphore, #tpu.memory_space<semaphore_mem>>) src(%dma_wait3A_8 : memref<768xi32, #tpu.memory_space<hbm>>) dst(%arg5 : memref<768xi32, #tpu.memory_space<vmem>>)
      tpu.yield
    }) : () -> ()
    %dma_start3A = arith.constant 0 : i32
    %dma_start3A_3 = tpu.memref_slice %arg2[%dma_start3A] : memref<60000xf32, #tpu.memory_space<hbm>> -> memref<60000xf32, #tpu.memory_space<hbm>>
    tpu.enqueue_indirect_dma source(%dma_start3A_3 : memref<60000xf32, #tpu.memory_space<hbm>>) target(%arg6 : memref<768xf32, #tpu.memory_space<vmem>>) offsets(%arg5 : memref<768xi32, #tpu.memory_space<vmem>>) semaphore(%arg7 : memref<!tpu.dma_semaphore, #tpu.memory_space<semaphore_mem>>)
    %dma_wait3A = arith.constant 0 : i32
    %dma_wait3A_4 = tpu.memref_slice %arg2[%dma_wait3A] : memref<60000xf32, #tpu.memory_space<hbm>> -> memref<60000xf32, #tpu.memory_space<hbm>>
    tpu.wait_indirect_dma semaphore(%arg7 : memref<!tpu.dma_semaphore, #tpu.memory_space<semaphore_mem>>) src(%dma_wait3A_4 : memref<60000xf32, #tpu.memory_space<hbm>>) dst(%arg6 : memref<768xf32, #tpu.memory_space<vmem>>)
    "tpu.region"() ({
      %run_scoped3A = tpu.sem_alloc : memref<!tpu.dma_semaphore, #tpu.memory_space<semaphore_mem>>
      %dma_start3A_5 = tpu.memref_slice %arg4[%mul3A_2] : memref<24576xf32, #tpu.memory_space<hbm>> -> memref<768xf32, #tpu.memory_space<hbm>>
      %dma_start3A_6 = tpu.memref_slice %arg4[%mul3A_2] : memref<24576xf32, #tpu.memory_space<hbm>> -> memref<768xf32, #tpu.memory_space<hbm>>
      tpu.enqueue_dma source(%arg6 : memref<768xf32, #tpu.memory_space<vmem>>) target(%dma_start3A_6 : memref<768xf32, #tpu.memory_space<hbm>>) target_semaphore(%run_scoped3A : memref<!tpu.dma_semaphore, #tpu.memory_space<semaphore_mem>>)
      %dma_wait3A_7 = tpu.memref_slice %arg4[%mul3A_2] : memref<24576xf32, #tpu.memory_space<hbm>> -> memref<768xf32, #tpu.memory_space<hbm>>
      %dma_wait3A_8 = tpu.memref_slice %arg4[%mul3A_2] : memref<24576xf32, #tpu.memory_space<hbm>> -> memref<768xf32, #tpu.memory_space<hbm>>
      tpu.wait_dma2 semaphore(%run_scoped3A : memref<!tpu.dma_semaphore, #tpu.memory_space<semaphore_mem>>) src(%arg6 : memref<768xf32, #tpu.memory_space<vmem>>) dst(%dma_wait3A_8 : memref<768xf32, #tpu.memory_space<hbm>>)
      tpu.yield
    }) : () -> ()
    return
  }
}

#map = affine_map<(d0, d1) -> (0, 0)>
#map1 = affine_map<(d0, d1) -> (0)>
module attributes {stable_mosaic.version = 14 : i64} {
  func.func @k(%arg0: i32, %arg1: i32, %arg2: memref<20000x64xf32, #tpu.memory_space<hbm>>, %arg3: memref<20000xf32, #tpu.memory_space<hbm>>, %arg4: memref<8192xi32, #tpu.memory_space<hbm>>, %arg5: memref<1024xi32, #tpu.memory_space<hbm>>, %arg6: memref<8192x64xf32, #tpu.memory_space<hbm>>, %arg7: memref<1024x64xf32, #tpu.memory_space<hbm>>, %arg8: memref<1024xf32, #tpu.memory_space<hbm>>, %arg9: memref<256xi32, #tpu.memory_space<vmem>>, %arg10: memref<256x64xf32, #tpu.memory_space<vmem>>, %arg11: memref<32xi32, #tpu.memory_space<vmem>>, %arg12: memref<32x64xf32, #tpu.memory_space<vmem>>, %arg13: memref<32xf32, #tpu.memory_space<vmem>>, %arg14: memref<!tpu.dma_semaphore, #tpu.memory_space<semaphore_mem>>) attributes {dimension_semantics = [#tpu.dimension_semantics<core_parallel>, #tpu.dimension_semantics<subcore_parallel>], iteration_bounds = array<i64: 2, 16>, scalar_prefetch = 0 : i64, scratch_operands = 6 : i64, tpu.core_type = #tpu.core_type<sc_vector_subcore>, window_params = [{transform_indices = #map}, {transform_indices = #map1}, {transform_indices = #map1}, {transform_indices = #map1}, {transform_indices = #map}, {transform_indices = #map}, {transform_indices = #map1}]} {
    %mul3A = arith.constant 2 : i32
    %mul3A_0 = arith.muli %arg1, %mul3A : i32
    %add3A = arith.addi %mul3A_0, %arg0 : i32
    %mul3A_1 = arith.constant 256 : i32
    %mul3A_2 = arith.muli %add3A, %mul3A_1 : i32
    %mul3A_3 = arith.constant 32 : i32
    %mul3A_4 = arith.muli %add3A, %mul3A_3 : i32
    "tpu.region"() ({
      %run_scoped3A = tpu.sem_alloc : memref<!tpu.dma_semaphore, #tpu.memory_space<semaphore_mem>>
      %dma_start3A_19 = tpu.memref_slice %arg4[%mul3A_2] : memref<8192xi32, #tpu.memory_space<hbm>> -> memref<256xi32, #tpu.memory_space<hbm>>
      %dma_start3A_20 = tpu.memref_slice %arg4[%mul3A_2] : memref<8192xi32, #tpu.memory_space<hbm>> -> memref<256xi32, #tpu.memory_space<hbm>>
      tpu.enqueue_dma source(%dma_start3A_20 : memref<256xi32, #tpu.memory_space<hbm>>) target(%arg9 : memref<256xi32, #tpu.memory_space<vmem>>) target_semaphore(%run_scoped3A : memref<!tpu.dma_semaphore, #tpu.memory_space<semaphore_mem>>)
      %dma_wait3A_21 = tpu.memref_slice %arg4[%mul3A_2] : memref<8192xi32, #tpu.memory_space<hbm>> -> memref<256xi32, #tpu.memory_space<hbm>>
      %dma_wait3A_22 = tpu.memref_slice %arg4[%mul3A_2] : memref<8192xi32, #tpu.memory_space<hbm>> -> memref<256xi32, #tpu.memory_space<hbm>>
      tpu.wait_dma2 semaphore(%run_scoped3A : memref<!tpu.dma_semaphore, #tpu.memory_space<semaphore_mem>>) src(%dma_wait3A_22 : memref<256xi32, #tpu.memory_space<hbm>>) dst(%arg9 : memref<256xi32, #tpu.memory_space<vmem>>)
      tpu.yield
    }) : () -> ()
    "tpu.region"() ({
      %run_scoped3A = tpu.sem_alloc : memref<!tpu.dma_semaphore, #tpu.memory_space<semaphore_mem>>
      %dma_start3A_19 = tpu.memref_slice %arg5[%mul3A_4] : memref<1024xi32, #tpu.memory_space<hbm>> -> memref<32xi32, #tpu.memory_space<hbm>>
      %dma_start3A_20 = tpu.memref_slice %arg5[%mul3A_4] : memref<1024xi32, #tpu.memory_space<hbm>> -> memref<32xi32, #tpu.memory_space<hbm>>
      tpu.enqueue_dma source(%dma_start3A_20 : memref<32xi32, #tpu.memory_space<hbm>>) target(%arg11 : memref<32xi32, #tpu.memory_space<vmem>>) target_semaphore(%run_scoped3A : memref<!tpu.dma_semaphore, #tpu.memory_space<semaphore_mem>>)
      %dma_wait3A_21 = tpu.memref_slice %arg5[%mul3A_4] : memref<1024xi32, #tpu.memory_space<hbm>> -> memref<32xi32, #tpu.memory_space<hbm>>
      %dma_wait3A_22 = tpu.memref_slice %arg5[%mul3A_4] : memref<1024xi32, #tpu.memory_space<hbm>> -> memref<32xi32, #tpu.memory_space<hbm>>
      tpu.wait_dma2 semaphore(%run_scoped3A : memref<!tpu.dma_semaphore, #tpu.memory_space<semaphore_mem>>) src(%dma_wait3A_22 : memref<32xi32, #tpu.memory_space<hbm>>) dst(%arg11 : memref<32xi32, #tpu.memory_space<vmem>>)
      tpu.yield
    }) : () -> ()
    %dma_start3A = arith.constant 0 : i32
    %dma_start3A_5 = arith.constant 0 : i32
    %dma_start3A_6 = tpu.memref_slice %arg2[%dma_start3A, %dma_start3A_5] : memref<20000x64xf32, #tpu.memory_space<hbm>> -> memref<20000x64xf32, #tpu.memory_space<hbm>>
    tpu.enqueue_indirect_dma source(%dma_start3A_6 : memref<20000x64xf32, #tpu.memory_space<hbm>>) target(%arg10 : memref<256x64xf32, #tpu.memory_space<vmem>>) offsets(%arg9 : memref<256xi32, #tpu.memory_space<vmem>>) semaphore(%arg14 : memref<!tpu.dma_semaphore, #tpu.memory_space<semaphore_mem>>)
    %dma_wait3A = arith.constant 0 : i32
    %dma_wait3A_7 = arith.constant 0 : i32
    %dma_wait3A_8 = tpu.memref_slice %arg2[%dma_wait3A, %dma_wait3A_7] : memref<20000x64xf32, #tpu.memory_space<hbm>> -> memref<20000x64xf32, #tpu.memory_space<hbm>>
    tpu.wait_indirect_dma semaphore(%arg14 : memref<!tpu.dma_semaphore, #tpu.memory_space<semaphore_mem>>) src(%dma_wait3A_8 : memref<20000x64xf32, #tpu.memory_space<hbm>>) dst(%arg10 : memref<256x64xf32, #tpu.memory_space<vmem>>)
    "tpu.region"() ({
      %run_scoped3A = tpu.sem_alloc : memref<!tpu.dma_semaphore, #tpu.memory_space<semaphore_mem>>
      %dma_start3A_19 = arith.constant 0 : i32
      %dma_start3A_20 = tpu.memref_slice %arg6[%mul3A_2, %dma_start3A_19] : memref<8192x64xf32, #tpu.memory_space<hbm>> -> memref<256x64xf32, #tpu.memory_space<hbm>>
      %dma_start3A_21 = arith.constant 0 : i32
      %dma_start3A_22 = tpu.memref_slice %arg6[%mul3A_2, %dma_start3A_21] : memref<8192x64xf32, #tpu.memory_space<hbm>> -> memref<256x64xf32, #tpu.memory_space<hbm>>
      tpu.enqueue_dma source(%arg10 : memref<256x64xf32, #tpu.memory_space<vmem>>) target(%dma_start3A_22 : memref<256x64xf32, #tpu.memory_space<hbm>>) target_semaphore(%run_scoped3A : memref<!tpu.dma_semaphore, #tpu.memory_space<semaphore_mem>>)
      %dma_wait3A_23 = arith.constant 0 : i32
      %dma_wait3A_24 = tpu.memref_slice %arg6[%mul3A_2, %dma_wait3A_23] : memref<8192x64xf32, #tpu.memory_space<hbm>> -> memref<256x64xf32, #tpu.memory_space<hbm>>
      %dma_wait3A_25 = arith.constant 0 : i32
      %dma_wait3A_26 = tpu.memref_slice %arg6[%mul3A_2, %dma_wait3A_25] : memref<8192x64xf32, #tpu.memory_space<hbm>> -> memref<256x64xf32, #tpu.memory_space<hbm>>
      tpu.wait_dma2 semaphore(%run_scoped3A : memref<!tpu.dma_semaphore, #tpu.memory_space<semaphore_mem>>) src(%arg10 : memref<256x64xf32, #tpu.memory_space<vmem>>) dst(%dma_wait3A_26 : memref<256x64xf32, #tpu.memory_space<hbm>>)
      tpu.yield
    }) : () -> ()
    %dma_start3A_9 = arith.constant 0 : i32
    %dma_start3A_10 = arith.constant 0 : i32
    %dma_start3A_11 = tpu.memref_slice %arg2[%dma_start3A_9, %dma_start3A_10] : memref<20000x64xf32, #tpu.memory_space<hbm>> -> memref<20000x64xf32, #tpu.memory_space<hbm>>
    tpu.enqueue_indirect_dma source(%dma_start3A_11 : memref<20000x64xf32, #tpu.memory_space<hbm>>) target(%arg12 : memref<32x64xf32, #tpu.memory_space<vmem>>) offsets(%arg11 : memref<32xi32, #tpu.memory_space<vmem>>) semaphore(%arg14 : memref<!tpu.dma_semaphore, #tpu.memory_space<semaphore_mem>>)
    %dma_wait3A_12 = arith.constant 0 : i32
    %dma_wait3A_13 = arith.constant 0 : i32
    %dma_wait3A_14 = tpu.memref_slice %arg2[%dma_wait3A_12, %dma_wait3A_13] : memref<20000x64xf32, #tpu.memory_space<hbm>> -> memref<20000x64xf32, #tpu.memory_space<hbm>>
    tpu.wait_indirect_dma semaphore(%arg14 : memref<!tpu.dma_semaphore, #tpu.memory_space<semaphore_mem>>) src(%dma_wait3A_14 : memref<20000x64xf32, #tpu.memory_space<hbm>>) dst(%arg12 : memref<32x64xf32, #tpu.memory_space<vmem>>)
    "tpu.region"() ({
      %run_scoped3A = tpu.sem_alloc : memref<!tpu.dma_semaphore, #tpu.memory_space<semaphore_mem>>
      %dma_start3A_19 = arith.constant 0 : i32
      %dma_start3A_20 = tpu.memref_slice %arg7[%mul3A_4, %dma_start3A_19] : memref<1024x64xf32, #tpu.memory_space<hbm>> -> memref<32x64xf32, #tpu.memory_space<hbm>>
      %dma_start3A_21 = arith.constant 0 : i32
      %dma_start3A_22 = tpu.memref_slice %arg7[%mul3A_4, %dma_start3A_21] : memref<1024x64xf32, #tpu.memory_space<hbm>> -> memref<32x64xf32, #tpu.memory_space<hbm>>
      tpu.enqueue_dma source(%arg12 : memref<32x64xf32, #tpu.memory_space<vmem>>) target(%dma_start3A_22 : memref<32x64xf32, #tpu.memory_space<hbm>>) target_semaphore(%run_scoped3A : memref<!tpu.dma_semaphore, #tpu.memory_space<semaphore_mem>>)
      %dma_wait3A_23 = arith.constant 0 : i32
      %dma_wait3A_24 = tpu.memref_slice %arg7[%mul3A_4, %dma_wait3A_23] : memref<1024x64xf32, #tpu.memory_space<hbm>> -> memref<32x64xf32, #tpu.memory_space<hbm>>
      %dma_wait3A_25 = arith.constant 0 : i32
      %dma_wait3A_26 = tpu.memref_slice %arg7[%mul3A_4, %dma_wait3A_25] : memref<1024x64xf32, #tpu.memory_space<hbm>> -> memref<32x64xf32, #tpu.memory_space<hbm>>
      tpu.wait_dma2 semaphore(%run_scoped3A : memref<!tpu.dma_semaphore, #tpu.memory_space<semaphore_mem>>) src(%arg12 : memref<32x64xf32, #tpu.memory_space<vmem>>) dst(%dma_wait3A_26 : memref<32x64xf32, #tpu.memory_space<hbm>>)
      tpu.yield
    }) : () -> ()
    %dma_start3A_15 = arith.constant 0 : i32
    %dma_start3A_16 = tpu.memref_slice %arg3[%dma_start3A_15] : memref<20000xf32, #tpu.memory_space<hbm>> -> memref<20000xf32, #tpu.memory_space<hbm>>
    tpu.enqueue_indirect_dma source(%dma_start3A_16 : memref<20000xf32, #tpu.memory_space<hbm>>) target(%arg13 : memref<32xf32, #tpu.memory_space<vmem>>) offsets(%arg11 : memref<32xi32, #tpu.memory_space<vmem>>) semaphore(%arg14 : memref<!tpu.dma_semaphore, #tpu.memory_space<semaphore_mem>>)
    %dma_wait3A_17 = arith.constant 0 : i32
    %dma_wait3A_18 = tpu.memref_slice %arg3[%dma_wait3A_17] : memref<20000xf32, #tpu.memory_space<hbm>> -> memref<20000xf32, #tpu.memory_space<hbm>>
    tpu.wait_indirect_dma semaphore(%arg14 : memref<!tpu.dma_semaphore, #tpu.memory_space<semaphore_mem>>) src(%dma_wait3A_18 : memref<20000xf32, #tpu.memory_space<hbm>>) dst(%arg13 : memref<32xf32, #tpu.memory_space<vmem>>)
    "tpu.region"() ({
      %run_scoped3A = tpu.sem_alloc : memref<!tpu.dma_semaphore, #tpu.memory_space<semaphore_mem>>
      %dma_start3A_19 = tpu.memref_slice %arg8[%mul3A_4] : memref<1024xf32, #tpu.memory_space<hbm>> -> memref<32xf32, #tpu.memory_space<hbm>>
      %dma_start3A_20 = tpu.memref_slice %arg8[%mul3A_4] : memref<1024xf32, #tpu.memory_space<hbm>> -> memref<32xf32, #tpu.memory_space<hbm>>
      tpu.enqueue_dma source(%arg13 : memref<32xf32, #tpu.memory_space<vmem>>) target(%dma_start3A_20 : memref<32xf32, #tpu.memory_space<hbm>>) target_semaphore(%run_scoped3A : memref<!tpu.dma_semaphore, #tpu.memory_space<semaphore_mem>>)
      %dma_wait3A_21 = tpu.memref_slice %arg8[%mul3A_4] : memref<1024xf32, #tpu.memory_space<hbm>> -> memref<32xf32, #tpu.memory_space<hbm>>
      %dma_wait3A_22 = tpu.memref_slice %arg8[%mul3A_4] : memref<1024xf32, #tpu.memory_space<hbm>> -> memref<32xf32, #tpu.memory_space<hbm>>
      tpu.wait_dma2 semaphore(%run_scoped3A : memref<!tpu.dma_semaphore, #tpu.memory_space<semaphore_mem>>) src(%arg13 : memref<32xf32, #tpu.memory_space<vmem>>) dst(%dma_wait3A_22 : memref<32xf32, #tpu.memory_space<hbm>>)
      tpu.yield
    }) : () -> ()
    return
  }
}

module attributes {stable_mosaic.version = 14 : i64} {
  func.func @_nn_kernel(%arg0: i32, %arg1: memref<3x1024xf32, #tpu.memory_space<vmem>>, %arg2: memref<5000x3xf32, #tpu.memory_space<vmem>>, %arg3: memref<1024xf32, #tpu.memory_space<vmem>>, %arg4: memref<1024xi32, #tpu.memory_space<vmem>>) attributes {dimension_semantics = [#tpu.dimension_semantics<arbitrary>], iteration_bounds = array<i64: 4>, scalar_prefetch = 0 : i64, scratch_operands = 0 : i64, tpu.core_type = #tpu.core_type<tc>, window_params = [{pipeline_mode = #tpu.pipeline_mode<synchronous>, transform_indices = @transform_0, window_bounds = array<i64: 3, 1024>}, {transform_indices = @transform_1, window_bounds = array<i64: 5000, 3>}, {pipeline_mode = #tpu.pipeline_mode<synchronous>, transform_indices = @transform_2, window_bounds = array<i64: 1024>}, {pipeline_mode = #tpu.pipeline_mode<synchronous>, transform_indices = @transform_3, window_bounds = array<i64: 1024>}]} {
    %get3A = arith.constant 0 : index
    %get3A_0 = arith.constant 0 : index
    %get3A_1 = vector.load %arg1[%get3A, %get3A_0] : memref<3x1024xf32, #tpu.memory_space<vmem>>, vector<3x1024xf32>
    %get3A_2 = arith.constant 0 : index
    %get3A_3 = arith.constant 0 : index
    %get3A_4 = vector.load %arg2[%get3A_2, %get3A_3] : memref<5000x3xf32, #tpu.memory_space<vmem>>, vector<5000x3xf32>
    %mul3A = arith.mulf %get3A_1, %get3A_1 : vector<3x1024xf32>
    %reduce_sum3A = arith.constant dense<0.000000e+00> : vector<1024xf32>
    %reduce_sum3A_5 = vector.multi_reduction <add>, %mul3A, %reduce_sum3A [0] : vector<3x1024xf32> to vector<1024xf32>
    %mul3A_6 = arith.mulf %get3A_4, %get3A_4 : vector<5000x3xf32>
    %reduce_sum3A_7 = arith.constant dense<0.000000e+00> : vector<5000xf32>
    %reduce_sum3A_8 = vector.multi_reduction <add>, %mul3A_6, %reduce_sum3A_7 [1] : vector<5000x3xf32> to vector<5000xf32>
    %mul3A_9 = arith.constant -2.000000e+00 : f32
    %mul3A_10 = vector.broadcast %mul3A_9 : f32 to vector<3x1024xf32>
    %mul3A_11 = arith.mulf %get3A_1, %mul3A_10 : vector<3x1024xf32>
    %dot_general3A = arith.constant dense<0.000000e+00> : vector<1024x5000xf32>
    %dot_general3A_12 = tpu.matmul %mul3A_11, %get3A_4, %dot_general3A {dimension_numbers = #tpu.dot_dimension_numbers<[0], [1], [1], [0], [0, 1, 1, 0], [], []>, transpose_lhs_hint = false} : vector<3x1024xf32>, vector<5000x3xf32>, vector<1024x5000xf32> -> vector<1024x5000xf32>
    %broadcast_in_dim3A = vector.shape_cast %reduce_sum3A_5 : vector<1024xf32> to vector<1024x1xf32>
    %broadcast_in_dim3A_13 = vector.shape_cast %reduce_sum3A_8 : vector<5000xf32> to vector<1x5000xf32>
    %add3A = vector.broadcast %broadcast_in_dim3A : vector<1024x1xf32> to vector<1024x5000xf32>
    %add3A_14 = vector.broadcast %broadcast_in_dim3A_13 : vector<1x5000xf32> to vector<1024x5000xf32>
    %add3A_15 = arith.addf %add3A, %add3A_14 : vector<1024x5000xf32>
    %add3A_16 = arith.addf %add3A_15, %dot_general3A_12 : vector<1024x5000xf32>
    %max3A = arith.constant 9.99999996E-13 : f32
    %max3A_17 = vector.broadcast %max3A : f32 to vector<1024x5000xf32>
    %max3A_18 = arith.maximumf %add3A_16, %max3A_17 : vector<1024x5000xf32>
    %sqrt3A = math.sqrt %max3A_18 : vector<1024x5000xf32>
    %mul3A_19 = arith.constant 5000 : i32
    %mul3A_20 = arith.muli %arg0, %mul3A_19 : i32
    %iota3A = tpu.iota {dimensions = array<i32: 1>} : vector<1024x5000xi32>
    %add3A_21 = vector.broadcast %mul3A_20 : i32 to vector<1024x5000xi32>
    %add3A_22 = arith.addi %add3A_21, %iota3A : vector<1024x5000xi32>
    %reduce_min3A = arith.constant dense<0x7F800000> : vector<1024xf32>
    %reduce_min3A_23 = vector.multi_reduction <minimumf>, %sqrt3A, %reduce_min3A [1] : vector<1024x5000xf32> to vector<1024xf32>
    %broadcast_in_dim3A_24 = vector.shape_cast %reduce_min3A_23 : vector<1024xf32> to vector<1024x1xf32>
    %eq3A = vector.broadcast %broadcast_in_dim3A_24 : vector<1024x1xf32> to vector<1024x5000xf32>
    %eq3A_25 = arith.cmpf oeq, %sqrt3A, %eq3A : vector<1024x5000xf32>
    %jit3A = arith.constant 20000 : i32
    %broadcast_in_dim3A_26 = vector.broadcast %jit3A : i32 to vector<1024x5000xi32>
    %select_n3A = arith.select %eq3A_25, %add3A_22, %broadcast_in_dim3A_26 : vector<1024x5000xi1>, vector<1024x5000xi32>
    %reduce_min3A_27 = arith.constant dense<2147483647> : vector<1024xi32>
    %reduce_min3A_28 = vector.multi_reduction <minsi>, %select_n3A, %reduce_min3A_27 [1] : vector<1024x5000xi32> to vector<1024xi32>
    %eq3A_29 = arith.constant 0 : i32
    %eq3A_30 = arith.cmpi eq, %arg0, %eq3A_29 : i32
    %convert_element_type3A = arith.extui %eq3A_30 : i1 to i32
    %cond3A = arith.constant 0 : i32
    %cond3A_31 = arith.cmpi ne, %convert_element_type3A, %cond3A : i32
    scf.if %cond3A_31 {
      %swap3A = arith.constant 0 : index
      %swap3A_36 = vector.load %arg3[%swap3A] : memref<1024xf32, #tpu.memory_space<vmem>>, vector<1024xf32>
      tpu.vector_store %arg3[%swap3A], %reduce_min3A_23 {strides = array<i32>} : memref<1024xf32, #tpu.memory_space<vmem>>, vector<1024xf32>,
      %swap3A_37 = arith.constant 0 : index
      %swap3A_38 = vector.load %arg4[%swap3A_37] : memref<1024xi32, #tpu.memory_space<vmem>>, vector<1024xi32>
      tpu.vector_store %arg4[%swap3A_37], %reduce_min3A_28 {strides = array<i32>} : memref<1024xi32, #tpu.memory_space<vmem>>, vector<1024xi32>,
    } else {
    }
    %gt3A = arith.constant 0 : i32
    %gt3A_32 = arith.cmpi sgt, %arg0, %gt3A : i32
    %convert_element_type3A_33 = arith.extui %gt3A_32 : i1 to i32
    %cond3A_34 = arith.constant 0 : i32
    %cond3A_35 = arith.cmpi ne, %convert_element_type3A_33, %cond3A_34 : i32
    scf.if %cond3A_35 {
      %get3A_36 = arith.constant 0 : index
      %get3A_37 = vector.load %arg3[%get3A_36] : memref<1024xf32, #tpu.memory_space<vmem>>, vector<1024xf32>
      %lt3A = arith.cmpf olt, %reduce_min3A_23, %get3A_37 : vector<1024xf32>
      %select_n3A_38 = arith.select %lt3A, %reduce_min3A_23, %get3A_37 : vector<1024xi1>, vector<1024xf32>
      %swap3A = arith.constant 0 : index
      %swap3A_39 = vector.load %arg3[%swap3A] : memref<1024xf32, #tpu.memory_space<vmem>>, vector<1024xf32>
      tpu.vector_store %arg3[%swap3A], %select_n3A_38 {strides = array<i32>} : memref<1024xf32, #tpu.memory_space<vmem>>, vector<1024xf32>,
      %get3A_40 = arith.constant 0 : index
      %get3A_41 = vector.load %arg4[%get3A_40] : memref<1024xi32, #tpu.memory_space<vmem>>, vector<1024xi32>
      %select_n3A_42 = arith.select %lt3A, %reduce_min3A_28, %get3A_41 : vector<1024xi1>, vector<1024xi32>
      %swap3A_43 = arith.constant 0 : index
      %swap3A_44 = vector.load %arg4[%swap3A_43] : memref<1024xi32, #tpu.memory_space<vmem>>, vector<1024xi32>
      tpu.vector_store %arg4[%swap3A_43], %select_n3A_42 {strides = array<i32>} : memref<1024xi32, #tpu.memory_space<vmem>>, vector<1024xi32>,
    } else {
    }
    return
  }
  func.func @transform_0(%arg0: i32) -> (i32, i32) {
    %c0_i32 = arith.constant 0 : i32
    %c0_i32_0 = arith.constant 0 : i32
    %c0_i32_1 = arith.constant 0 : i32
    return %c0_i32, %c0_i32_0 : i32, i32
  }
  func.func @transform_1(%arg0: i32) -> (i32, i32) {
    %c0_i32 = arith.constant 0 : i32
    %c0_i32_0 = arith.constant 0 : i32
    return %arg0, %c0_i32 : i32, i32
  }
  func.func @transform_2(%arg0: i32) -> i32 {
    %c0_i32 = arith.constant 0 : i32
    %c0_i32_0 = arith.constant 0 : i32
    return %c0_i32 : i32
  }
  func.func @transform_3(%arg0: i32) -> i32 {
    %c0_i32 = arith.constant 0 : i32
    %c0_i32_0 = arith.constant 0 : i32
    return %c0_i32 : i32
  }
}

module attributes {stable_mosaic.version = 14 : i64} {
  func.func @_negmin_kernel(%arg0: i32, %arg1: memref<3x1024xf32, #tpu.memory_space<vmem>>, %arg2: memref<1024x64xf32, #tpu.memory_space<vmem>>, %arg3: memref<3x4096xf32, #tpu.memory_space<vmem>>, %arg4: memref<4096x64xf32, #tpu.memory_space<vmem>>, %arg5: memref<1024x64xf32, #tpu.memory_space<vmem>>, %arg6: memref<1024xf32, #tpu.memory_space<vmem>>, %arg7: memref<1024xf32, #tpu.memory_space<vmem>>, %arg8: memref<1024xf32, #tpu.memory_space<vmem>>, %arg9: memref<1x1xf32, #tpu.memory_space<vmem>>, %arg10: memref<1024xf32, #tpu.memory_space<vmem>>) attributes {dimension_semantics = [#tpu.dimension_semantics<arbitrary>], iteration_bounds = array<i64: 2>, scalar_prefetch = 0 : i64, scratch_operands = 1 : i64, tpu.core_type = #tpu.core_type<tc>, window_params = [{pipeline_mode = #tpu.pipeline_mode<synchronous>, transform_indices = @transform_0, window_bounds = array<i64: 3, 1024>}, {pipeline_mode = #tpu.pipeline_mode<synchronous>, transform_indices = @transform_1, window_bounds = array<i64: 1024, 64>}, {transform_indices = @transform_2, window_bounds = array<i64: 3, 4096>}, {transform_indices = @transform_3, window_bounds = array<i64: 4096, 64>}, {pipeline_mode = #tpu.pipeline_mode<synchronous>, transform_indices = @transform_4, window_bounds = array<i64: 1024, 64>}, {pipeline_mode = #tpu.pipeline_mode<synchronous>, transform_indices = @transform_5, window_bounds = array<i64: 1024>}, {pipeline_mode = #tpu.pipeline_mode<synchronous>, transform_indices = @transform_6, window_bounds = array<i64: 1024>}, {pipeline_mode = #tpu.pipeline_mode<synchronous>, transform_indices = @transform_7, window_bounds = array<i64: 1024>}, {pipeline_mode = #tpu.pipeline_mode<synchronous>, transform_indices = @transform_8, window_bounds = array<i64: 1, 1>}]} {
    %get3A = arith.constant 0 : index
    %get3A_0 = arith.constant 0 : index
    %get3A_1 = vector.load %arg1[%get3A, %get3A_0] : memref<3x1024xf32, #tpu.memory_space<vmem>>, vector<3x1024xf32>
    %get3A_2 = arith.constant 0 : index
    %get3A_3 = arith.constant 0 : index
    %get3A_4 = vector.load %arg3[%get3A_2, %get3A_3] : memref<3x4096xf32, #tpu.memory_space<vmem>>, vector<3x4096xf32>
    %get3A_5 = arith.constant 0 : index
    %get3A_6 = arith.constant 0 : index
    %get3A_7 = vector.load %arg2[%get3A_5, %get3A_6] : memref<1024x64xf32, #tpu.memory_space<vmem>>, vector<1024x64xf32>
    %get3A_8 = arith.constant 0 : index
    %get3A_9 = arith.constant 0 : index
    %get3A_10 = vector.load %arg4[%get3A_8, %get3A_9] : memref<4096x64xf32, #tpu.memory_space<vmem>>, vector<4096x64xf32>
    %mul3A = arith.mulf %get3A_1, %get3A_1 : vector<3x1024xf32>
    %reduce_sum3A = arith.constant dense<0.000000e+00> : vector<1024xf32>
    %reduce_sum3A_11 = vector.multi_reduction <add>, %mul3A, %reduce_sum3A [0] : vector<3x1024xf32> to vector<1024xf32>
    %mul3A_12 = arith.mulf %get3A_7, %get3A_7 : vector<1024x64xf32>
    %reduce_sum3A_13 = arith.constant dense<0.000000e+00> : vector<1024xf32>
    %reduce_sum3A_14 = vector.multi_reduction <add>, %mul3A_12, %reduce_sum3A_13 [1] : vector<1024x64xf32> to vector<1024xf32>
    %mul3A_15 = arith.mulf %get3A_4, %get3A_4 : vector<3x4096xf32>
    %reduce_sum3A_16 = arith.constant dense<0.000000e+00> : vector<4096xf32>
    %reduce_sum3A_17 = vector.multi_reduction <add>, %mul3A_15, %reduce_sum3A_16 [0] : vector<3x4096xf32> to vector<4096xf32>
    %mul3A_18 = arith.mulf %get3A_10, %get3A_10 : vector<4096x64xf32>
    %reduce_sum3A_19 = arith.constant dense<0.000000e+00> : vector<4096xf32>
    %reduce_sum3A_20 = vector.multi_reduction <add>, %mul3A_18, %reduce_sum3A_19 [1] : vector<4096x64xf32> to vector<4096xf32>
    %mul3A_21 = arith.constant -2.000000e+00 : f32
    %mul3A_22 = vector.broadcast %mul3A_21 : f32 to vector<3x1024xf32>
    %mul3A_23 = arith.mulf %get3A_1, %mul3A_22 : vector<3x1024xf32>
    %dot_general3A = arith.constant dense<0.000000e+00> : vector<1024x4096xf32>
    %dot_general3A_24 = tpu.matmul %mul3A_23, %get3A_4, %dot_general3A {dimension_numbers = #tpu.dot_dimension_numbers<[0], [0], [1], [1], [0, 1, 1, 1], [], []>, transpose_lhs_hint = false} : vector<3x1024xf32>, vector<3x4096xf32>, vector<1024x4096xf32> -> vector<1024x4096xf32>
    %broadcast_in_dim3A = vector.shape_cast %reduce_sum3A_11 : vector<1024xf32> to vector<1024x1xf32>
    %broadcast_in_dim3A_25 = vector.shape_cast %reduce_sum3A_17 : vector<4096xf32> to vector<1x4096xf32>
    %add3A = vector.broadcast %broadcast_in_dim3A : vector<1024x1xf32> to vector<1024x4096xf32>
    %add3A_26 = vector.broadcast %broadcast_in_dim3A_25 : vector<1x4096xf32> to vector<1024x4096xf32>
    %add3A_27 = arith.addf %add3A, %add3A_26 : vector<1024x4096xf32>
    %add3A_28 = arith.addf %add3A_27, %dot_general3A_24 : vector<1024x4096xf32>
    %max3A = arith.constant 9.99999996E-13 : f32
    %max3A_29 = vector.broadcast %max3A : f32 to vector<1024x4096xf32>
    %max3A_30 = arith.maximumf %add3A_28, %max3A_29 : vector<1024x4096xf32>
    %sqrt3A = math.sqrt %max3A_30 : vector<1024x4096xf32>
    %mul3A_31 = arith.constant -2.000000e+00 : f32
    %mul3A_32 = vector.broadcast %mul3A_31 : f32 to vector<1024x64xf32>
    %mul3A_33 = arith.mulf %get3A_7, %mul3A_32 : vector<1024x64xf32>
    %dot_general3A_34 = arith.constant dense<0.000000e+00> : vector<1024x4096xf32>
    %dot_general3A_35 = tpu.matmul %mul3A_33, %get3A_10, %dot_general3A_34 {dimension_numbers = #tpu.dot_dimension_numbers<[1], [1], [0], [0], [0, 0, 1, 0], [], []>, transpose_lhs_hint = false} : vector<1024x64xf32>, vector<4096x64xf32>, vector<1024x4096xf32> -> vector<1024x4096xf32>
    %broadcast_in_dim3A_36 = vector.shape_cast %reduce_sum3A_14 : vector<1024xf32> to vector<1024x1xf32>
    %broadcast_in_dim3A_37 = vector.shape_cast %reduce_sum3A_20 : vector<4096xf32> to vector<1x4096xf32>
    %add3A_38 = vector.broadcast %broadcast_in_dim3A_36 : vector<1024x1xf32> to vector<1024x4096xf32>
    %add3A_39 = vector.broadcast %broadcast_in_dim3A_37 : vector<1x4096xf32> to vector<1024x4096xf32>
    %add3A_40 = arith.addf %add3A_38, %add3A_39 : vector<1024x4096xf32>
    %add3A_41 = arith.addf %add3A_40, %dot_general3A_35 : vector<1024x4096xf32>
    %max3A_42 = arith.constant 9.99999996E-13 : f32
    %max3A_43 = vector.broadcast %max3A_42 : f32 to vector<1024x4096xf32>
    %max3A_44 = arith.maximumf %add3A_41, %max3A_43 : vector<1024x4096xf32>
    %sqrt3A_45 = math.sqrt %max3A_44 : vector<1024x4096xf32>
    %lt3A = arith.constant 2.000000e-01 : f32
    %lt3A_46 = vector.broadcast %lt3A : f32 to vector<1024x4096xf32>
    %lt3A_47 = arith.cmpf olt, %sqrt3A, %lt3A_46 : vector<1024x4096xf32>
    %jit3A = arith.constant 1.000000e+10 : f32
    %jit3A_48 = arith.constant 0.000000e+00 : f32
    %broadcast_in_dim3A_49 = vector.broadcast %jit3A : f32 to vector<1024x4096xf32>
    %broadcast_in_dim3A_50 = vector.broadcast %jit3A_48 : f32 to vector<1024x4096xf32>
    %select_n3A = arith.select %lt3A_47, %broadcast_in_dim3A_49, %broadcast_in_dim3A_50 : vector<1024x4096xi1>, vector<1024x4096xf32>
    %add3A_51 = arith.addf %sqrt3A_45, %select_n3A : vector<1024x4096xf32>
    %reduce_min3A = arith.constant dense<0x7F800000> : vector<1024xf32>
    %reduce_min3A_52 = vector.multi_reduction <minimumf>, %add3A_51, %reduce_min3A [1] : vector<1024x4096xf32> to vector<1024xf32>
    %eq3A = arith.constant 0 : i32
    %eq3A_53 = arith.cmpi eq, %arg0, %eq3A : i32
    %convert_element_type3A = arith.extui %eq3A_53 : i1 to i32
    %cond3A = arith.constant 0 : i32
    %cond3A_54 = arith.cmpi ne, %convert_element_type3A, %cond3A : i32
    scf.if %cond3A_54 {
      %swap3A = arith.constant 0 : index
      %swap3A_64 = vector.load %arg10[%swap3A] : memref<1024xf32, #tpu.memory_space<vmem>>, vector<1024xf32>
      tpu.vector_store %arg10[%swap3A], %reduce_min3A_52 {strides = array<i32>} : memref<1024xf32, #tpu.memory_space<vmem>>, vector<1024xf32>,
    } else {
    }
    %gt3A = arith.constant 0 : i32
    %gt3A_55 = arith.cmpi sgt, %arg0, %gt3A : i32
    %convert_element_type3A_56 = arith.extui %gt3A_55 : i1 to i32
    %cond3A_57 = arith.constant 0 : i32
    %cond3A_58 = arith.cmpi ne, %convert_element_type3A_56, %cond3A_57 : i32
    scf.if %cond3A_58 {
      %get3A_64 = arith.constant 0 : index
      %get3A_65 = vector.load %arg10[%get3A_64] : memref<1024xf32, #tpu.memory_space<vmem>>, vector<1024xf32>
      %min3A = arith.minimumf %get3A_65, %reduce_min3A_52 : vector<1024xf32>
      %swap3A = arith.constant 0 : index
      %swap3A_66 = vector.load %arg10[%swap3A] : memref<1024xf32, #tpu.memory_space<vmem>>, vector<1024xf32>
      tpu.vector_store %arg10[%swap3A], %min3A {strides = array<i32>} : memref<1024xf32, #tpu.memory_space<vmem>>, vector<1024xf32>,
    } else {
    }
    %eq3A_59 = arith.constant 1 : i32
    %eq3A_60 = arith.cmpi eq, %arg0, %eq3A_59 : i32
    %convert_element_type3A_61 = arith.extui %eq3A_60 : i1 to i32
    %cond3A_62 = arith.constant 0 : i32
    %cond3A_63 = arith.cmpi ne, %convert_element_type3A_61, %cond3A_62 : i32
    scf.if %cond3A_63 {
      %get3A_64 = arith.constant 0 : index
      %get3A_65 = vector.load %arg10[%get3A_64] : memref<1024xf32, #tpu.memory_space<vmem>>, vector<1024xf32>
      %get3A_66 = arith.constant 0 : index
      %get3A_67 = arith.constant 0 : index
      %get3A_68 = vector.load %arg5[%get3A_66, %get3A_67] : memref<1024x64xf32, #tpu.memory_space<vmem>>, vector<1024x64xf32>
      %sub3A = arith.subf %get3A_7, %get3A_68 : vector<1024x64xf32>
      %mul3A_69 = arith.mulf %sub3A, %sub3A : vector<1024x64xf32>
      %reduce_sum3A_70 = arith.constant dense<0.000000e+00> : vector<1024xf32>
      %reduce_sum3A_71 = vector.multi_reduction <add>, %mul3A_69, %reduce_sum3A_70 [1] : vector<1024x64xf32> to vector<1024xf32>
      %add3A_72 = arith.constant 9.99999996E-13 : f32
      %add3A_73 = vector.broadcast %add3A_72 : f32 to vector<1024xf32>
      %add3A_74 = arith.addf %reduce_sum3A_71, %add3A_73 : vector<1024xf32>
      %sqrt3A_75 = math.sqrt %add3A_74 : vector<1024xf32>
      %sub3A_76 = arith.subf %sqrt3A_75, %get3A_65 : vector<1024xf32>
      %get3A_77 = arith.constant 0 : index
      %get3A_78 = vector.load %arg8[%get3A_77] : memref<1024xf32, #tpu.memory_space<vmem>>, vector<1024xf32>
      %lt3A_79 = arith.constant 1.000000e-01 : f32
      %lt3A_80 = vector.broadcast %lt3A_79 : f32 to vector<1024xf32>
      %lt3A_81 = arith.cmpf olt, %get3A_78, %lt3A_80 : vector<1024xf32>
      %convert_element_type3A_82 = arith.extui %lt3A_81 : vector<1024xi1> to vector<1024xi32>
      %convert_element_type3A_83 = arith.sitofp %convert_element_type3A_82 : vector<1024xi32> to vector<1024xf32>
      %reduce_sum3A_84 = vector.shape_cast %convert_element_type3A_83 : vector<1024xf32> to vector<1x1024xf32>
      %reduce_sum3A_85 = arith.constant dense<0.000000e+00> : vector<1xf32>
      %reduce_sum3A_86 = vector.multi_reduction <add>, %reduce_sum3A_84, %reduce_sum3A_85 [1] : vector<1x1024xf32> to vector<1xf32>
      %reduce_sum3A_87 = vector.shape_cast %reduce_sum3A_86 : vector<1xf32> to vector<1x1xf32>
      %reduce_sum3A_88 = vector.extract %reduce_sum3A_87[0, 0] : f32 from vector<1x1xf32>
      %get3A_89 = arith.constant 0 : index
      %get3A_90 = vector.load %arg6[%get3A_89] : memref<1024xf32, #tpu.memory_space<vmem>>, vector<1024xf32>
      %get3A_91 = arith.constant 0 : index
      %get3A_92 = vector.load %arg7[%get3A_91] : memref<1024xf32, #tpu.memory_space<vmem>>, vector<1024xf32>
      %add3A_93 = arith.addf %get3A_90, %get3A_92 : vector<1024xf32>
      %mul3A_94 = arith.constant 5.000000e-01 : f32
      %mul3A_95 = vector.broadcast %mul3A_94 : f32 to vector<1024xf32>
      %mul3A_96 = arith.mulf %add3A_93, %mul3A_95 : vector<1024xf32>
      %add3A_97 = arith.constant 1.000000e+00 : f32
      %add3A_98 = vector.broadcast %add3A_97 : f32 to vector<1024xf32>
      %add3A_99 = arith.addf %sub3A_76, %add3A_98 : vector<1024xf32>
      %max3A_100 = arith.constant 0.000000e+00 : f32
      %max3A_101 = vector.broadcast %max3A_100 : f32 to vector<1024xf32>
      %max3A_102 = arith.maximumf %add3A_99, %max3A_101 : vector<1024xf32>
      %mul3A_103 = arith.mulf %max3A_102, %convert_element_type3A_83 : vector<1024xf32>
      %reduce_sum3A_104 = vector.shape_cast %mul3A_103 : vector<1024xf32> to vector<1x1024xf32>
      %reduce_sum3A_105 = arith.constant dense<0.000000e+00> : vector<1xf32>
      %reduce_sum3A_106 = vector.multi_reduction <add>, %reduce_sum3A_104, %reduce_sum3A_105 [1] : vector<1x1024xf32> to vector<1xf32>
      %reduce_sum3A_107 = vector.shape_cast %reduce_sum3A_106 : vector<1xf32> to vector<1x1xf32>
      %reduce_sum3A_108 = vector.extract %reduce_sum3A_107[0, 0] : f32 from vector<1x1xf32>
      %mul3A_109 = arith.mulf %mul3A_96, %sub3A_76 : vector<1024xf32>
      %mul3A_110 = arith.mulf %mul3A_109, %convert_element_type3A_83 : vector<1024xf32>
      %reduce_sum3A_111 = vector.shape_cast %mul3A_110 : vector<1024xf32> to vector<1x1024xf32>
      %reduce_sum3A_112 = arith.constant dense<0.000000e+00> : vector<1xf32>
      %reduce_sum3A_113 = vector.multi_reduction <add>, %reduce_sum3A_111, %reduce_sum3A_112 [1] : vector<1x1024xf32> to vector<1xf32>
      %reduce_sum3A_114 = vector.shape_cast %reduce_sum3A_113 : vector<1xf32> to vector<1x1xf32>
      %reduce_sum3A_115 = vector.extract %reduce_sum3A_114[0, 0] : f32 from vector<1x1xf32>
      %add3A_116 = arith.addf %reduce_sum3A_108, %reduce_sum3A_115 : f32
      %div3A = arith.divf %add3A_116, %reduce_sum3A_88 : f32
      %lt3A_117 = arith.constant 5.120000e+02 : f32
      %lt3A_118 = arith.cmpf olt, %reduce_sum3A_88, %lt3A_117 : f32
      %jit3A_119 = arith.constant 0.000000e+00 : f32
      %select_n3A_120 = arith.select %lt3A_118, %jit3A_119, %div3A : f32
      %reshape3A = vector.broadcast %select_n3A_120 : f32 to vector<1x1xf32>
      %swap3A = arith.constant 0 : index
      %swap3A_121 = arith.constant 0 : index
      %swap3A_122 = vector.load %arg9[%swap3A, %swap3A_121] : memref<1x1xf32, #tpu.memory_space<vmem>>, vector<1x1xf32>
      tpu.vector_store %arg9[%swap3A, %swap3A_121], %reshape3A {strides = array<i32>} : memref<1x1xf32, #tpu.memory_space<vmem>>, vector<1x1xf32>,
    } else {
    }
    return
  }
  func.func @transform_0(%arg0: i32) -> (i32, i32) {
    %c0_i32 = arith.constant 0 : i32
    %c0_i32_0 = arith.constant 0 : i32
    %c0_i32_1 = arith.constant 0 : i32
    return %c0_i32, %c0_i32_0 : i32, i32
  }
  func.func @transform_1(%arg0: i32) -> (i32, i32) {
    %c0_i32 = arith.constant 0 : i32
    %c0_i32_0 = arith.constant 0 : i32
    %c0_i32_1 = arith.constant 0 : i32
    return %c0_i32, %c0_i32_0 : i32, i32
  }
  func.func @transform_2(%arg0: i32) -> (i32, i32) {
    %c0_i32 = arith.constant 0 : i32
    %c0_i32_0 = arith.constant 0 : i32
    return %c0_i32, %arg0 : i32, i32
  }
  func.func @transform_3(%arg0: i32) -> (i32, i32) {
    %c0_i32 = arith.constant 0 : i32
    %c0_i32_0 = arith.constant 0 : i32
    return %arg0, %c0_i32 : i32, i32
  }
  func.func @transform_4(%arg0: i32) -> (i32, i32) {
    %c0_i32 = arith.constant 0 : i32
    %c0_i32_0 = arith.constant 0 : i32
    %c0_i32_1 = arith.constant 0 : i32
    return %c0_i32, %c0_i32_0 : i32, i32
  }
  func.func @transform_5(%arg0: i32) -> i32 {
    %c0_i32 = arith.constant 0 : i32
    %c0_i32_0 = arith.constant 0 : i32
    return %c0_i32 : i32
  }
  func.func @transform_6(%arg0: i32) -> i32 {
    %c0_i32 = arith.constant 0 : i32
    %c0_i32_0 = arith.constant 0 : i32
    return %c0_i32 : i32
  }
  func.func @transform_7(%arg0: i32) -> i32 {
    %c0_i32 = arith.constant 0 : i32
    %c0_i32_0 = arith.constant 0 : i32
    return %c0_i32 : i32
  }
  func.func @transform_8(%arg0: i32) -> (i32, i32) {
    %c0_i32 = arith.constant 0 : i32
    %c0_i32_0 = arith.constant 0 : i32
    %c0_i32_1 = arith.constant 0 : i32
    return %c0_i32, %c0_i32_0 : i32, i32
  }
}

</mosaic_0001>

<sc_bundles>
// kernel: kernel.10.cloned.1.call-start
scs
__scs_entry_jumppad:
0x0: {  	(pc) =	sbr.rel $0x88, $3  }
0x1: {  	(tag) =	ssettag $0x0;
	lr =	simm.s32 $0x1  }
0x2: {  	[smem:$0x3F9A] =	sst lr;
	_ =	strace $0xD0000000  }
0x3: {  	_ = 	snop  }
0x4: {  	_ = 	snop  }
0x5: {  	_ = 	snop  }
0x6: {  	_ = 	snop  }
0x7: {  	_ = 	snop  }
__scs_overlays_trampoline_lowered:
0x8: {  	[smem:$0x3FA9] =	sst s0  }
0x9: {  	[smem:$0x3FAA] =	sst s1  }
0xa: {  	[smem:$0x3FAB] =	sst s2  }
0xb: {  	[smem:$0x3FAC] =	sst s3  }
0xc: {  	[smem:$0x3FAD] =	sst s4  }
0xd: {  	[smem:$0x3FAE] =	sst s5  }
0xe: {  	[smem:$0x3FAF] =	sst s6  }
0xf: {  	[smem:$0x3FB0] =	sst s7  }
0x10: {  	[smem:$0x3FB1] =	sst s8  }
0x11: {  	[smem:$0x3FB2] =	sst s9;
	s0 =	simm.s32 @!p0 $0x0  }
0x12: {  	s1 =	sld [smem:$0x3F98];
	s0 =	simm.s32 @p0 $0x1  }
0x13: {  	[smem:$0x3FB3] =	sst s0;
	s0 =	simm.s32 @!p1 $0x0  }
0x14: {  	s2 =	sld [smem:$0x3F97];
	s0 =	simm.s32 @p1 $0x1  }
0x15: {  	[smem:$0x3FB4] =	sst s0;
	s0 =	simm.s32 @!p2 $0x0  }
0x16: {  	s3 =	sld [smem:$0x3FDB];
	s0 =	simm.s32 @p2 $0x1  }
0x17: {  	s4 =	simm.s32 $0x1BF5;
	[smem:$0x3FB6] =	sst s0  }
0x18: {  	s0 =	sld [smem:$0x3F99];
	_ =	swait.ge [sflag:s4], $0x0  }
0x19: {  	s7 =	sld [smem:$0x3F9A]  }
0x1a: {  	s8 =	sadd.s32 $0xFFFFE003, lr  }
0x1b: {  	s9 =	sadd.s32 $0xFFFFFEF7, lr;
	s5 =	simm.s32 $0xFFFFFFFF;
	p2 =	slt.u32 s8, $0xFFFFF086  }
0x1c: {  	p1 =	slt.u32 s9, $0xF7A;
	s5 =	simm.s32 @!p2 $0x0  }
0x1d: {  	s5 =	simm.s32 @p1 $0x1;
	p0 =	seq.s32 s7, s2  }
0x1e: {  	s7 =	smul.u32 @!p0 $0xF7A, s2;
	p2 =	seq.s32 @!p0 s5, $0x0  }
0x1f: {  	s9 =	smul.u32 $0xF7A, s1;
	s8 =	simm.s32 @!p0 $0x1BF5;
	p2 =	por !p2, p0  }
0x20: {  	[sflag:s8] =	ssyncset.s32 @!p0 $0xFFFFF086;
	s6 =	sadd.s32 @!p0 s3, s7;
	s7 =	simm.s32 @!p0 $0x108  }
0x21: {  	s3 =	sadd.s32 s3, s9;
	s6 =	sadd.s32 @!p0 $0x88, s6;
	s7 =	simm.s32 @p2 $0x1082  }
0x22: {  	[simem:s7], [sflag:s8] =	dma.local @!p0 [hbm:s6], $0xF7A  }
0x23: {  	s9 =	sor.u32 $0xD0000000, s2;
	s6 =	simm.s32 $0x108;
	_ =	swait.ge @!p0 [sflag:s8], $0x0  }
0x24: {  	s3 =	sadd.s32 $0x88, s3;
	s6 =	simm.s32 @!p1 $0x1082;
	[sflag:s4] =	ssyncset.s32 $0xFFFFF086  }
0x25: {  	[simem:s6], [sflag:s4] =	dma.local [hbm:s3], $0xF7A  }
0x26: {  	[smem:$0x3F9A] =	sst s1;
	(tag) =	ssettag s2;
	_ =	strace s9  }
0x27: {  	s1 =	sld [smem:$0x3FAA]  }
0x28: {  	s2 =	sld [smem:$0x3FAB]  }
0x29: {  	s4 =	sld [smem:$0x3FAD]  }
0x2a: {  	p0 =	seq.s32 s5, $0x0;
	s5 =	sld [smem:$0x3FAE]  }
0x2b: {  	s6 =	sld [smem:$0x3FAF]  }
0x2c: {  	s7 =	sld [smem:$0x3FB0]  }
0x2d: {  	s3 =	simm.s32 $0x108;
	s8 =	sld [smem:$0x3FB1]  }
0x2e: {  	s3 =	simm.s32 @!p0 $0x1082;
	s9 =	sld [smem:$0x3FB2]  }
0x2f: {  	lr =	sadd.s32 s0, s3;
	s0 =	sld [smem:$0x3FA9]  }
0x30: {  	s3 =	sld [smem:$0x3FAC]  }
0x31: {  	[smem:$0x3FB5] =	sst s10  }
0x32: {  	s10 =	sld [smem:$0x3FB3];
	_ =	sdelay $0x3  }
0x33: {  	p0 =	seq.s32 s10, $0x1;
	s10 =	sld [smem:$0x3FB5];
	_ =	sdelay $0x3  }
0x34: {  	[smem:$0x3FB5] =	sst s10  }
0x35: {  	s10 =	sld [smem:$0x3FB4];
	_ =	sdelay $0x3  }
0x36: {  	p1 =	seq.s32 s10, $0x1;
	s10 =	sld [smem:$0x3FB5];
	_ =	sdelay $0x3  }
0x37: {  	[smem:$0x3FB5] =	sst s10  }
0x38: {  	s10 =	sld [smem:$0x3FB6]  }
0x39: {  	_ = 	snop;
	(pc) =	sbr.ind lr, $3  }
0x3a: {  	_ = 	snop  }
0x3b: {  	_ = 	snop  }
0x3c: {  	p2 =	seq.s32 s10, $0x1;
	s10 =	sld [smem:$0x3FB5]  }
0x3d: {  	_ =	shalt  }
0x3e: {  	_ =	shalt  }
0x3f: {  	_ =	shalt  }
0x40: {  	_ =	shalt  }
0x41: {  	_ =	shalt  }
0x42: {  	_ =	shalt  }
0x43: {  	_ =	shalt  }
0x44: {  	_ =	shalt  }
0x45: {  	_ =	shalt  }
0x46: {  	_ =	shalt  }
0x47: {  	_ =	shalt  }
0x48: {  	_ =	shalt  }
0x49: {  	_ =	shalt  }
0x4a: {  	_ =	shalt  }
0x4b: {  	_ =	shalt  }
0x4c: {  	_ =	shalt  }
0x4d: {  	_ =	shalt  }
0x4e: {  	_ =	shalt  }
0x4f: {  	_ =	shalt  }
0x50: {  	_ =	shalt  }
0x51: {  	_ =	shalt  }
0x52: {  	_ =	shalt  }
0x53: {  	_ =	shalt  }
0x54: {  	_ =	shalt  }
0x55: {  	_ =	shalt  }
0x56: {  	_ =	shalt  }
0x57: {  	_ =	shalt  }
0x58: {  	_ =	shalt  }
0x59: {  	_ =	shalt  }
0x5a: {  	_ =	shalt  }
0x5b: {  	_ =	shalt  }
0x5c: {  	_ =	shalt  }
0x5d: {  	_ =	shalt  }
0x5e: {  	_ =	shalt  }
0x5f: {  	_ =	shalt  }
0x60: {  	_ =	shalt  }
0x61: {  	_ =	shalt  }
0x62: {  	_ =	shalt  }
0x63: {  	_ =	shalt  }
0x64: {  	_ =	shalt  }
0x65: {  	_ =	shalt  }
0x66: {  	_ =	shalt  }
0x67: {  	_ =	shalt  }
0x68: {  	_ =	shalt  }
0x69: {  	_ =	shalt  }
0x6a: {  	_ =	shalt  }
0x6b: {  	_ =	shalt  }
0x6c: {  	_ =	shalt  }
0x6d: {  	_ =	shalt  }
0x6e: {  	_ =	shalt  }
0x6f: {  	_ =	shalt  }
0x70: {  	_ =	shalt  }
0x71: {  	_ =	shalt  }
0x72: {  	_ =	shalt  }
0x73: {  	_ =	shalt  }
0x74: {  	_ =	shalt  }
0x75: {  	_ =	shalt  }
0x76: {  	_ =	shalt  }
0x77: {  	_ =	shalt  }
0x78: {  	_ =	shalt  }
0x79: {  	_ =	shalt  }
0x7a: {  	_ =	shalt  }
0x7b: {  	_ =	shalt  }
0x7c: {  	_ =	shalt  }
0x7d: {  	_ =	shalt  }
0x7e: {  	_ =	shalt  }
0x7f: {  	_ =	shalt  }
0x80: {  	_ =	shalt  }
0x81: {  	_ =	shalt  }
0x82: {  	_ =	shalt  }
0x83: {  	_ =	shalt  }
0x84: {  	_ =	shalt  }
0x85: {  	_ =	shalt  }
0x86: {  	_ =	shalt  }
0x87: {  	_ =	shalt  }
.Lfunc_end0:
.L_simem_size_0:
called_computation.1_lowered:
.L_overlay_start_0:
0x88: {  	s2 =	sld [smem:$0x3FD9]  }
0x89: {  	s3 =	sld [smem:$0x3FFE];
	_ =	sdelay $0x1  }
0x8a: {  	s1 =	srdreg.scid  }
0x8b: {  	s0 =	sand.u32 $0x1, s1  }
0x8c: {  	s17 =	sshll.u32 s0, $0xA;
	s2 =	sadd.s32 s3, s2  }
0x8d: {  	s2 =	sadd.s32 s2, s17  }
0x8e: {  	[smem:$0x3FC1] =	sst s2  }
0x8f: {  	_ = 	snop  }
0x90: {  	(tm) =	ssettm $0x1  }
0x91: {  	s18 =	sld [smem:$0x3FFB];
	_ =	sdelay $0x3  }
0x92: {  	_ =	strace s18  }
0x93: {  	s2 =	sld [smem:$0x3FFC];
	_ =	sdelay $0x3  }
0x94: {  	_ =	strace s2  }
0x95: {  	s2 =	sld [smem:$0x3FFD];
	_ =	sdelay $0x3  }
0x96: {  	_ =	strace s2  }
0x97: {  	_ =	strace $0x8FFFFFFF  }
0x98: {  	s19 =	sld [smem:$0x3FDB];
	_ =	sdelay $0x1  }
0x99: {  	s20 =	simm.s32 $_scs_section_size  }
0x9a: {  	s4 =	simm.s32 $_size__tile_overlayer_lowered;
	s5 =	simm.s32 $_tile_overlayer_lowered  }
0x9b: {  	s6 =	simm.s32 $0x1BFF;
	s21 =	sshll.u32 s5, $0x1;
	s3 =	sadd.s32 s20, s19  }
0x9c: {  	s22 =	simm.s32 $0x0;
	s4 =	sshll.u32 s4, $0x1;
	s5 =	sadd.s32 s21, s3  }
0x9d: {  	[timem:s22], [sflag:s6] =	dma.local [hbm:s5], s4  }
0x9e: {  	_ =	swait.ge [sflag:s6], s4  }
0x9f: {  	s4 =	ssub.s32 $0x0, s4;
	[sflag:s6] =	ssyncset.done $0x0  }
0xa0: {  	[sflag:s6] =	ssyncadd.s32 s4;
	_ =	sdelay $0x1  }
0xa1: {  	s23 =	simm.s32 $0x1B8B  }
0xa2: {  	_ =	swait.ge [sflag:s23], $0x1  }
0xa3: {  	[sflag:s23] =	ssyncset.done $0x0  }
0xa4: {  	[sflag:s23] =	ssyncadd.s32 $0xFFFFFFFF  }
0xa5: {  	s4 =	sld [smem:$0x0]  }
0xa6: {  	s5 =	sand.u32 $0xFFFFFFFE, s1  }
0xa7: {  	p0 =	sne.s32 s1, s5  }
0xa8: {  	s5 =	sshll.u32 @p0 s5, $0xE  }
0xa9: {  	s5 =	sadd.s32 @p0 $0x11B8D, s5;
	s6 =	sshll.u32 @p0 s4, $0x11  }
0xaa: {  	s5 =	sor.u32 @p0 s6, s5  }
0xab: {  	[sflag:s5] =	ssyncadd.remote.s32 @p0 $0x1;
	_ =	sdelay $0x1  }
0xac: {  	s5 =	simm.s32 @p0 $0x1B8D  }
0xad: {  	_ =	swait.eq @p0 [sflag:s5], $0x1  }
0xae: {  	[sflag:s5] =	ssyncadd.s32 @p0 $0xFFFFFFFF  }
0xaf: {  	s6 =	sshll.u32 @!p0 s1, $0xE  }
0xb0: {  	s6 =	sor.u32 @!p0 $0x4000, s6;
	s5 =	simm.s32 @!p0 $0x1B8D  }
0xb1: {  	s4 =	sshll.u32 @!p0 s4, $0x11;
	s6 =	sadd.s32 @!p0 $0x11B8D, s6;
	_ =	swait.eq @!p0 [sflag:s5], $0x1  }
0xb2: {  	s4 =	sor.u32 @!p0 s4, s6;
	[sflag:s5] =	ssyncadd.s32 @!p0 $0xFFFFFFFF  }
0xb3: {  	s25 =	simm.s32 $0x1B8E;
	s24 =	sld [smem:$0x3FFE];
	[sflag:s4] =	ssyncadd.remote.s32 @!p0 $0x1  }
0xb4: {  	s26 =	simm.s32 $execute0_lowered;
	[smem:$0x3FD2] =	sst s25  }
0xb5: {  	s5 =	sshll.u32 s26, $0x1;
	_ =	strace $0x80000049;
	[dreg:$0x1] =	wrdreg $0xFFFFFFFF  }
0xb6: {  	s28 =	simm.s32 $_size_execute0_lowered;
	s3 =	sadd.s32 s3, s5;
	[dreg:$0x0] =	wrdreg $0x0  }
0xb7: {  	s5 =	sshll.u32 s28, $0x1;
	[dreg:$0x2] =	wrdreg s3  }
0xb8: {  	[dreg:$0x3] =	wrdreg s5  }
0xb9: {  	[dreg:$0x4] =	wrdreg $0xC0  }
0xba: {  	_ =	task [dreg:s22], $0x5FFFF  }
0xbb: {  	[dreg:$0x1] =	wrdreg $0xFFFFFFFF  }
0xbc: {  	[dreg:$0x0] =	wrdreg $0x60  }
0xbd: {  	[dreg:$0x2] =	wrdreg s24  }
0xbe: {  	[dreg:$0x3] =	wrdreg $0x9  }
0xbf: {  	_ =	task.clear_ibuf [dreg:s22], $0x4FFFF;
	_ =	strace $0x90000049  }
0xc0: {  	s29 =	simm.s32 $0x9;
	_ =	strace $0x8000004B  }
0xc1: {  	_ =	swait.ge [sflag:s29], $0x1  }
0xc2: {  	[sflag:s29] =	ssyncadd.s32 $0xFFFFFFFF  }
0xc3: {  	_ =	strace $0x9000004B  }
0xc4: {  	_ =	sfence  }
0xc5: {  	s30 =	sld [smem:$0x0];
	_ =	sdelay $0x2  }
0xc6: {  	s31 =	sshll.u32 s1, $0xD;
	s1 =	sshrl.u32 s1, $0x2  }
0xc7: {  	s4 =	sand.u32 $0x4000, s31;
	s1 =	sadd.s32 s1, s30  }
0xc8: {  	s0 =	sor.u32 s4, s0;
	s1 =	sshll.u32 s1, $0x11  }
0xc9: {  	s0 =	sor.u32 s1, s0  }
0xca: {  	s0 =	sadd.s32 $0x8F2B, s0  }
0xcb: {  	[sflag:s0] =	ssyncadd.remote.s32 $0x1  }
0xcc: {  	_ =	sfence.sel $0xFFFF  }
0xcd: {  	[dreg:$0x0] =	wrdreg $0xFFFFFFFF;
	(pc) =	sbr.abs _section_cstart, $3  }
0xce: {  	[dreg:$0x1] =	wrdreg $0xFFFFFFFF  }
0xcf: {  	_ =	task.clear_ibuf [dreg:s22], $0x2FFFF;
	_ =	strace $0x9FFFFFFF  }
0xd0: {  	(tm) =	ssettm $0x7FFFFFFF  }
0xd1: {  	_ =	shalt  }
tec
execute0_lowered:
.L_overlay_start_1:
0x0: {  	(tag) =	ssettag $0x1  }
0x1: {  	s1 =	srdreg.scid;
	s0 =	stileid.u32  }
0x2: {  	s6 =	sand.u32 $0x1, s1;
	s31 =	sshll.u32 s0, $0x1  }
0x3: {  	s1 =	sor.u32 s6, s31  }
0x4: {  	s5 =	rddreg [dreg:$0x0];
	s2 =	simm.s32 $0x0;
	s3 =	smul.u32 $0x60, s1  }
0x5: {  	[smem:$0x7FF] =	sst s2  }
0x6: {  	s9 =	ssub.s32 $0x2, s6;
	s1 =	rddreg [dreg:$0x1];
	s8 =	sadd.s32 s3, s5  }
0x7: {  	_ =	strace $0x8000004A;
	s3 =	simm.s32 $0x2;
	s4 =	sadd.s32 $0x7A00, s8  }
0x8: {  	[tilespmem:s2], [sflag:$0x2] =	stream.linear.gather [hbm4b:s4+s2], $0x300, $0x38;
	[tilespmem:$0x600] =	vst v63  }
0x9: {  	s7 =	simm.s32 $0x1;
	s10 =	sshrl.u32 s9, $0x1;
	_ =	swait.ge [sflag:s3], $0x300  }
0xa: {  	s6 =	simm.s32 $0x300;
	s9 =	ssub.s32 s9, s10;
	[sflag:s3] =	ssyncset.done $0x0  }
0xb: {  	s5 =	sadd.s32 $0x5C00, s5;
	s9 =	smax.u32 s9, $0x1;
	[sflag:s3] =	ssyncadd.s32 $0xFFFFFD00  }
0xc: {  	[tilespmem:s6], [sflag:$0x1] =	stream.indirect.gather [hbm4b:s5+s6], $0x1, s2, s6, $0xb8;
	[tilespmem:$0x600] =	vst v63  }
0xd: {  	p0 =	sne.s32 s9, $0x1;
	_ =	swait.ge [sflag:s7], $0x300  }
.Ltmp0:
0xe: {  	[sflag:s7] =	ssyncset.done $0x0;
	(pc) =	sbr.rel @!p0 .LBB2_2-.Ltmp0, $4  }
0xf: {  	s8 =	sadd.s32 $0x8600, s8;
	[sflag:s7] =	ssyncadd.s32 $0xFFFFFD00  }
0x10: {  	[hbm4b:s8+s2] =	stream.linear.scatter [tilespmem:s6], [sflag:$0x2], $0x300, $0x38;
	[tilespmem:$0x600] =	vst v63  }
0x11: {  	_ =	swait.ge [sflag:s3], $0x300  }
0x12: {  	s9 =	sadd.s32 $0xFFFFFFFF, s9;
	[sflag:s3] =	ssyncset.done $0x0  }
.LBB2_1:
0x13: {  	p0 =	sne.s32 s9, $0x1;
	s9 =	sadd.s32 $0xFFFFFFFF, s9;
	[sflag:s3] =	ssyncadd.s32 $0xFFFFFD00  }
0x14: {  	[tilespmem:s2], [sflag:$0x2] =	stream.linear.gather [hbm4b:s4+s2], $0x300, $0x38;
	[tilespmem:$0x600] =	vst v63  }
0x15: {  	_ =	swait.ge [sflag:s3], $0x300  }
0x16: {  	[sflag:s3] =	ssyncset.done $0x0  }
0x17: {  	[sflag:s3] =	ssyncadd.s32 $0xFFFFFD00  }
0x18: {  	[tilespmem:s6], [sflag:$0x1] =	stream.indirect.gather [hbm4b:s5+s6], $0x1, s2, s6, $0xb8;
	[tilespmem:$0x600] =	vst v63  }
0x19: {  	_ =	swait.ge [sflag:s7], $0x300  }
.Ltmp1:
0x1a: {  	[sflag:s7] =	ssyncset.done $0x0;
	(pc) =	sbr.rel @p0 .LBB2_1-.Ltmp1, $4  }
0x1b: {  	[sflag:s7] =	ssyncadd.s32 $0xFFFFFD00  }
0x1c: {  	[hbm4b:s8+s2] =	stream.linear.scatter [tilespmem:s6], [sflag:$0x2], $0x300, $0x38;
	[tilespmem:$0x600] =	vst v63  }
0x1d: {  	_ =	swait.ge [sflag:s3], $0x300  }
0x1e: {  	[sflag:s3] =	ssyncset.done $0x0  }
.LBB2_2:
0x1f: {  	[sflag:s3] =	ssyncadd.s32 $0xFFFFFD00  }
0x20: {  	_ =	sfence.sel $0x180000  }
0x21: {  	[bflag:$0x0] =	sbarrier.arrive $0xFFFF  }
0x22: {  	p0 =	sne.s32 s0, $0x0;
	_ =	strace $0x9000004A  }
0x23: {  	s0 =	sadd.s32 @!p0 $0x100000, s1;
	[bflag:$0x2] =	sbarrier.arrive $0xFFFF  }
0x24: {  	[sflag:s0] =	ssyncadd.tile.s32 @!p0 $0x1;
	_ =	shalt  }
.Lfunc_end2:
_tile_overlayer_lowered:
.L_overlay_start_2:
0x25: {  	(tag) =	ssettag $0x2  }
0x26: {  	s0 =	rddreg [dreg:$0x0];
	s2 =	stileid.u32  }
0x27: {  	s1 =	rddreg [dreg:$0x1];
	p0 =	sne.s32 s2, $0x0  }
0x28: {  	s3 =	rddreg [dreg:$0x2];
	[bflag:$0x3] =	sbarrier.arrive $0xFFFF;
	s2 =	simm.s32 @!p0 $0x1C02  }
0x29: {  	[timem:s3], [sflag:s2] =	dma.local @!p0 [hbm:s0], s1  }
0x2a: {  	s0 =	simm.s32 @!p0 $0x2  }
0x2b: {  	_ =	swait.ge @!p0 [sflag:s0], s1  }
0x2c: {  	s1 =	ssub.s32 @!p0 $0x0, s1;
	[sflag:s0] =	ssyncset.done @!p0 $0x0  }
0x2d: {  	[sflag:s0] =	ssyncadd.s32 @!p0 s1  }
0x2e: {  	[bflag:$0x3] =	sbarrier.arrive $0xFFFF  }
0x2f: {  	_ =	shalt  }

// kernel: kernel.13.cloned.1.call-start
scs
__scs_entry_jumppad:
0x0: {  	(pc) =	sbr.rel $0x88, $3  }
0x1: {  	(tag) =	ssettag $0x0;
	lr =	simm.s32 $0x1  }
0x2: {  	[smem:$0x3F9A] =	sst lr;
	_ =	strace $0xD0000000  }
0x3: {  	_ = 	snop  }
0x4: {  	_ = 	snop  }
0x5: {  	_ = 	snop  }
0x6: {  	_ = 	snop  }
0x7: {  	_ = 	snop  }
__scs_overlays_trampoline_lowered:
0x8: {  	[smem:$0x3FA9] =	sst s0  }
0x9: {  	[smem:$0x3FAA] =	sst s1  }
0xa: {  	[smem:$0x3FAB] =	sst s2  }
0xb: {  	[smem:$0x3FAC] =	sst s3  }
0xc: {  	[smem:$0x3FAD] =	sst s4  }
0xd: {  	[smem:$0x3FAE] =	sst s5  }
0xe: {  	[smem:$0x3FAF] =	sst s6  }
0xf: {  	[smem:$0x3FB0] =	sst s7  }
0x10: {  	[smem:$0x3FB1] =	sst s8  }
0x11: {  	[smem:$0x3FB2] =	sst s9;
	s0 =	simm.s32 @!p0 $0x0  }
0x12: {  	s1 =	sld [smem:$0x3F98];
	s0 =	simm.s32 @p0 $0x1  }
0x13: {  	[smem:$0x3FB3] =	sst s0;
	s0 =	simm.s32 @!p1 $0x0  }
0x14: {  	s2 =	sld [smem:$0x3F97];
	s0 =	simm.s32 @p1 $0x1  }
0x15: {  	[smem:$0x3FB4] =	sst s0;
	s0 =	simm.s32 @!p2 $0x0  }
0x16: {  	s3 =	sld [smem:$0x3FDB];
	s0 =	simm.s32 @p2 $0x1  }
0x17: {  	s4 =	simm.s32 $0x1BF5;
	[smem:$0x3FB6] =	sst s0  }
0x18: {  	s0 =	sld [smem:$0x3F99];
	_ =	swait.ge [sflag:s4], $0x0  }
0x19: {  	s7 =	sld [smem:$0x3F9A]  }
0x1a: {  	s8 =	sadd.s32 $0xFFFFE003, lr  }
0x1b: {  	s9 =	sadd.s32 $0xFFFFFEF7, lr;
	s5 =	simm.s32 $0xFFFFFFFF;
	p2 =	slt.u32 s8, $0xFFFFF086  }
0x1c: {  	p1 =	slt.u32 s9, $0xF7A;
	s5 =	simm.s32 @!p2 $0x0  }
0x1d: {  	s5 =	simm.s32 @p1 $0x1;
	p0 =	seq.s32 s7, s2  }
0x1e: {  	s7 =	smul.u32 @!p0 $0xF7A, s2;
	p2 =	seq.s32 @!p0 s5, $0x0  }
0x1f: {  	s9 =	smul.u32 $0xF7A, s1;
	s8 =	simm.s32 @!p0 $0x1BF5;
	p2 =	por !p2, p0  }
0x20: {  	[sflag:s8] =	ssyncset.s32 @!p0 $0xFFFFF086;
	s6 =	sadd.s32 @!p0 s3, s7;
	s7 =	simm.s32 @!p0 $0x108  }
0x21: {  	s3 =	sadd.s32 s3, s9;
	s6 =	sadd.s32 @!p0 $0x88, s6;
	s7 =	simm.s32 @p2 $0x1082  }
0x22: {  	[simem:s7], [sflag:s8] =	dma.local @!p0 [hbm:s6], $0xF7A  }
0x23: {  	s9 =	sor.u32 $0xD0000000, s2;
	s6 =	simm.s32 $0x108;
	_ =	swait.ge @!p0 [sflag:s8], $0x0  }
0x24: {  	s3 =	sadd.s32 $0x88, s3;
	s6 =	simm.s32 @!p1 $0x1082;
	[sflag:s4] =	ssyncset.s32 $0xFFFFF086  }
0x25: {  	[simem:s6], [sflag:s4] =	dma.local [hbm:s3], $0xF7A  }
0x26: {  	[smem:$0x3F9A] =	sst s1;
	(tag) =	ssettag s2;
	_ =	strace s9  }
0x27: {  	s1 =	sld [smem:$0x3FAA]  }
0x28: {  	s2 =	sld [smem:$0x3FAB]  }
0x29: {  	s4 =	sld [smem:$0x3FAD]  }
0x2a: {  	p0 =	seq.s32 s5, $0x0;
	s5 =	sld [smem:$0x3FAE]  }
0x2b: {  	s6 =	sld [smem:$0x3FAF]  }
0x2c: {  	s7 =	sld [smem:$0x3FB0]  }
0x2d: {  	s3 =	simm.s32 $0x108;
	s8 =	sld [smem:$0x3FB1]  }
0x2e: {  	s3 =	simm.s32 @!p0 $0x1082;
	s9 =	sld [smem:$0x3FB2]  }
0x2f: {  	lr =	sadd.s32 s0, s3;
	s0 =	sld [smem:$0x3FA9]  }
0x30: {  	s3 =	sld [smem:$0x3FAC]  }
0x31: {  	[smem:$0x3FB5] =	sst s10  }
0x32: {  	s10 =	sld [smem:$0x3FB3];
	_ =	sdelay $0x3  }
0x33: {  	p0 =	seq.s32 s10, $0x1;
	s10 =	sld [smem:$0x3FB5];
	_ =	sdelay $0x3  }
0x34: {  	[smem:$0x3FB5] =	sst s10  }
0x35: {  	s10 =	sld [smem:$0x3FB4];
	_ =	sdelay $0x3  }
0x36: {  	p1 =	seq.s32 s10, $0x1;
	s10 =	sld [smem:$0x3FB5];
	_ =	sdelay $0x3  }
0x37: {  	[smem:$0x3FB5] =	sst s10  }
0x38: {  	s10 =	sld [smem:$0x3FB6]  }
0x39: {  	_ = 	snop;
	(pc) =	sbr.ind lr, $3  }
0x3a: {  	_ = 	snop  }
0x3b: {  	_ = 	snop  }
0x3c: {  	p2 =	seq.s32 s10, $0x1;
	s10 =	sld [smem:$0x3FB5]  }
0x3d: {  	_ =	shalt  }
0x3e: {  	_ =	shalt  }
0x3f: {  	_ =	shalt  }
0x40: {  	_ =	shalt  }
0x41: {  	_ =	shalt  }
0x42: {  	_ =	shalt  }
0x43: {  	_ =	shalt  }
0x44: {  	_ =	shalt  }
0x45: {  	_ =	shalt  }
0x46: {  	_ =	shalt  }
0x47: {  	_ =	shalt  }
0x48: {  	_ =	shalt  }
0x49: {  	_ =	shalt  }
0x4a: {  	_ =	shalt  }
0x4b: {  	_ =	shalt  }
0x4c: {  	_ =	shalt  }
0x4d: {  	_ =	shalt  }
0x4e: {  	_ =	shalt  }
0x4f: {  	_ =	shalt  }
0x50: {  	_ =	shalt  }
0x51: {  	_ =	shalt  }
0x52: {  	_ =	shalt  }
0x53: {  	_ =	shalt  }
0x54: {  	_ =	shalt  }
0x55: {  	_ =	shalt  }
0x56: {  	_ =	shalt  }
0x57: {  	_ =	shalt  }
0x58: {  	_ =	shalt  }
0x59: {  	_ =	shalt  }
0x5a: {  	_ =	shalt  }
0x5b: {  	_ =	shalt  }
0x5c: {  	_ =	shalt  }
0x5d: {  	_ =	shalt  }
0x5e: {  	_ =	shalt  }
0x5f: {  	_ =	shalt  }
0x60: {  	_ =	shalt  }
0x61: {  	_ =	shalt  }
0x62: {  	_ =	shalt  }
0x63: {  	_ =	shalt  }
0x64: {  	_ =	shalt  }
0x65: {  	_ =	shalt  }
0x66: {  	_ =	shalt  }
0x67: {  	_ =	shalt  }
0x68: {  	_ =	shalt  }
0x69: {  	_ =	shalt  }
0x6a: {  	_ =	shalt  }
0x6b: {  	_ =	shalt  }
0x6c: {  	_ =	shalt  }
0x6d: {  	_ =	shalt  }
0x6e: {  	_ =	shalt  }
0x6f: {  	_ =	shalt  }
0x70: {  	_ =	shalt  }
0x71: {  	_ =	shalt  }
0x72: {  	_ =	shalt  }
0x73: {  	_ =	shalt  }
0x74: {  	_ =	shalt  }
0x75: {  	_ =	shalt  }
0x76: {  	_ =	shalt  }
0x77: {  	_ =	shalt  }
0x78: {  	_ =	shalt  }
0x79: {  	_ =	shalt  }
0x7a: {  	_ =	shalt  }
0x7b: {  	_ =	shalt  }
0x7c: {  	_ =	shalt  }
0x7d: {  	_ =	shalt  }
0x7e: {  	_ =	shalt  }
0x7f: {  	_ =	shalt  }
0x80: {  	_ =	shalt  }
0x81: {  	_ =	shalt  }
0x82: {  	_ =	shalt  }
0x83: {  	_ =	shalt  }
0x84: {  	_ =	shalt  }
0x85: {  	_ =	shalt  }
0x86: {  	_ =	shalt  }
0x87: {  	_ =	shalt  }
.Lfunc_end0:
.L_simem_size_0:
called_computation.2_lowered:
.L_overlay_start_0:
0x88: {  	s2 =	sld [smem:$0x3FD9]  }
0x89: {  	s3 =	sld [smem:$0x3FFE];
	_ =	sdelay $0x1  }
0x8a: {  	s1 =	srdreg.scid  }
0x8b: {  	s0 =	sand.u32 $0x1, s1  }
0x8c: {  	s17 =	sshll.u32 s0, $0xA;
	s2 =	sadd.s32 s3, s2  }
0x8d: {  	s2 =	sadd.s32 s2, s17  }
0x8e: {  	[smem:$0x3FC1] =	sst s2  }
0x8f: {  	_ = 	snop  }
0x90: {  	s18 =	sld [smem:$0x3FC4];
	(tm) =	ssettm $0x1  }
0x91: {  	s19 =	sld [smem:$0x3FFB];
	_ =	sdelay $0x3  }
0x92: {  	_ =	strace s19  }
0x93: {  	s2 =	sld [smem:$0x3FFC];
	_ =	sdelay $0x3  }
0x94: {  	_ =	strace s2  }
0x95: {  	s2 =	sld [smem:$0x3FFD];
	_ =	sdelay $0x3  }
0x96: {  	_ =	strace s2  }
0x97: {  	_ =	strace $0x8FFFFFFF  }
0x98: {  	s20 =	sld [smem:$0x3FDB];
	_ =	sdelay $0x1  }
0x99: {  	s4 =	simm.s32 $_scs_section_size  }
0x9a: {  	s5 =	simm.s32 $_size__tile_overlayer_lowered;
	s6 =	simm.s32 $_tile_overlayer_lowered  }
0x9b: {  	s7 =	simm.s32 $0x1BFF;
	s21 =	sshll.u32 s6, $0x1;
	s4 =	sadd.s32 s4, s20  }
0x9c: {  	s22 =	simm.s32 $0x0;
	s5 =	sshll.u32 s5, $0x1;
	s6 =	sadd.s32 s21, s4  }
0x9d: {  	[timem:s22], [sflag:s7] =	dma.local [hbm:s6], s5  }
0x9e: {  	_ =	swait.ge [sflag:s7], s5  }
0x9f: {  	s5 =	ssub.s32 $0x0, s5;
	[sflag:s7] =	ssyncset.done $0x0  }
0xa0: {  	[sflag:s7] =	ssyncadd.s32 s5;
	_ =	sdelay $0x1  }
0xa1: {  	s23 =	simm.s32 $0x1B8B  }
0xa2: {  	_ =	swait.ge [sflag:s23], $0x1  }
0xa3: {  	[sflag:s23] =	ssyncset.done $0x0  }
0xa4: {  	[sflag:s23] =	ssyncadd.s32 $0xFFFFFFFF  }
0xa5: {  	s5 =	sld [smem:$0x0]  }
0xa6: {  	s6 =	sand.u32 $0xFFFFFFFE, s1  }
0xa7: {  	p0 =	sne.s32 s1, s6  }
0xa8: {  	s6 =	sshll.u32 @p0 s6, $0xE  }
0xa9: {  	s6 =	sadd.s32 @p0 $0x11B8D, s6;
	s7 =	sshll.u32 @p0 s5, $0x11  }
0xaa: {  	s6 =	sor.u32 @p0 s7, s6  }
0xab: {  	[sflag:s6] =	ssyncadd.remote.s32 @p0 $0x1;
	_ =	sdelay $0x1  }
0xac: {  	s6 =	simm.s32 @p0 $0x1B8D  }
0xad: {  	_ =	swait.eq @p0 [sflag:s6], $0x1  }
0xae: {  	[sflag:s6] =	ssyncadd.s32 @p0 $0xFFFFFFFF  }
0xaf: {  	s7 =	sshll.u32 @!p0 s1, $0xE  }
0xb0: {  	s7 =	sor.u32 @!p0 $0x4000, s7;
	s6 =	simm.s32 @!p0 $0x1B8D  }
0xb1: {  	s5 =	sshll.u32 @!p0 s5, $0x11;
	s7 =	sadd.s32 @!p0 $0x11B8D, s7;
	_ =	swait.eq @!p0 [sflag:s6], $0x1  }
0xb2: {  	s5 =	sor.u32 @!p0 s5, s7;
	[sflag:s6] =	ssyncadd.s32 @!p0 $0xFFFFFFFF  }
0xb3: {  	s25 =	simm.s32 $0x1B8E;
	s24 =	sld [smem:$0x3FFE];
	[sflag:s5] =	ssyncadd.remote.s32 @!p0 $0x1  }
0xb4: {  	s26 =	simm.s32 $execute0_lowered;
	[smem:$0x3FD2] =	sst s25  }
0xb5: {  	s6 =	sshll.u32 s26, $0x1;
	_ =	strace $0x8000004C;
	[dreg:$0x1] =	wrdreg $0xFFFFFFFF  }
0xb6: {  	s28 =	simm.s32 $_size_execute0_lowered;
	s4 =	sadd.s32 s4, s6;
	[dreg:$0x0] =	wrdreg $0x0  }
0xb7: {  	s6 =	sshll.u32 s28, $0x1;
	[dreg:$0x2] =	wrdreg s4  }
0xb8: {  	[dreg:$0x3] =	wrdreg s6  }
0xb9: {  	[dreg:$0x4] =	wrdreg $0xC0  }
0xba: {  	_ =	task [dreg:s22], $0x5FFFF  }
0xbb: {  	[dreg:$0x1] =	wrdreg $0xFFFFFFFF  }
0xbc: {  	[dreg:$0x0] =	wrdreg $0x60  }
0xbd: {  	[dreg:$0x2] =	wrdreg s24  }
0xbe: {  	[dreg:$0x3] =	wrdreg s18  }
0xbf: {  	[dreg:$0x4] =	wrdreg $0xA  }
0xc0: {  	_ =	task.clear_ibuf [dreg:s22], $0x5FFFF;
	_ =	strace $0x9000004C  }
0xc1: {  	s29 =	simm.s32 $0xA;
	_ =	strace $0x8000004E  }
0xc2: {  	_ =	swait.ge [sflag:s29], $0x1  }
0xc3: {  	[sflag:s29] =	ssyncadd.s32 $0xFFFFFFFF  }
0xc4: {  	_ =	strace $0x9000004E  }
0xc5: {  	_ =	sfence  }
0xc6: {  	s30 =	sld [smem:$0x0];
	_ =	sdelay $0x2  }
0xc7: {  	s31 =	sshll.u32 s1, $0xD;
	s1 =	sshrl.u32 s1, $0x2  }
0xc8: {  	s4 =	sand.u32 $0x4000, s31;
	s1 =	sadd.s32 s1, s30  }
0xc9: {  	s0 =	sor.u32 s4, s0;
	s1 =	sshll.u32 s1, $0x11  }
0xca: {  	s0 =	sor.u32 s1, s0  }
0xcb: {  	s0 =	sadd.s32 $0x8F2B, s0  }
0xcc: {  	[sflag:s0] =	ssyncadd.remote.s32 $0x1  }
0xcd: {  	_ =	sfence.sel $0xFFFF  }
0xce: {  	[dreg:$0x0] =	wrdreg $0xFFFFFFFF;
	(pc) =	sbr.abs _section_cstart, $3  }
0xcf: {  	[dreg:$0x1] =	wrdreg $0xFFFFFFFF  }
0xd0: {  	_ =	task.clear_ibuf [dreg:s22], $0x2FFFF;
	_ =	strace $0x9FFFFFFF  }
0xd1: {  	(tm) =	ssettm $0x7FFFFFFF  }
tec
execute0_lowered:
.L_overlay_start_1:
0x0: {  	(tag) =	ssettag $0x1  }
0x1: {  	s1 =	srdreg.scid;
	s0 =	stileid.u32  }
0x2: {  	s14 =	rddreg [dreg:$0x0];
	s15 =	sand.u32 $0x1, s1;
	s29 =	sshll.u32 s0, $0x1  }
0x3: {  	s2 =	rddreg [dreg:$0x1];
	s16 =	sor.u32 s15, s29  }
0x4: {  	s3 =	simm.s32 $0x0;
	s1 =	rddreg [dreg:$0x2];
	s4 =	sshll.u32 s16, $0x5  }
0x5: {  	[smem:$0x7FF] =	sst s3;
	s4 =	sadd.s32 s4, s14  }
0x6: {  	_ =	strace $0x8000004D;
	s5 =	sadd.s32 $0x3800, s4;
	s4 =	simm.s32 $0x2  }
0x7: {  	[tilespmem:s3], [sflag:$0x2] =	stream.linear.gather [hbm4b:s5+s3], $0x100, $0x38;
	[tilespmem:$0x4940] =	vst v63  }
0x8: {  	s6 =	sshll.u32 s16, $0x2;
	_ =	swait.ge [sflag:s4], $0x100  }
0x9: {  	s17 =	sadd.s32 s6, s14;
	[sflag:s4] =	ssyncset.done $0x0  }
0xa: {  	s7 =	simm.s32 $0x4100;
	s6 =	sadd.s32 $0x3600, s17;
	[sflag:s4] =	ssyncadd.s32 $0xFFFFFF00  }
0xb: {  	[tilespmem:s7], [sflag:$0x2] =	stream.linear.gather [hbm4b:s6+s3], $0x20, $0x38;
	[tilespmem:$0x4940] =	vst v63  }
0xc: {  	_ =	swait.ge [sflag:s4], $0x20  }
0xd: {  	s9 =	simm.s32 $0x100;
	[sflag:s4] =	ssyncset.done $0x0  }
0xe: {  	s10 =	simm.s32 $0x1;
	s8 =	sadd.s32 $0x9200, s14;
	[sflag:s4] =	ssyncadd.s32 $0xFFFFFFE0  }
0xf: {  	[tilespmem:s9], [sflag:$0x1] =	stream.indirect.gather [hbm4b:s8+s9], $0x40, s3, s9, $0xb8;
	[tilespmem:$0x4940] =	vst v63  }
0x10: {  	s11 =	sshll.u32 s16, $0xB;
	_ =	swait.ge [sflag:s10], $0x4000  }
0x11: {  	s11 =	sadd.s32 s11, s14;
	[sflag:s10] =	ssyncset.done $0x0  }
0x12: {  	s11 =	sadd.s32 $0x32400, s11;
	[sflag:s10] =	ssyncadd.s32 $0xFFFFC000  }
0x13: {  	[hbm4b:s11+s3] =	stream.linear.scatter [tilespmem:s9], [sflag:$0x2], $0x4000, $0x38;
	[tilespmem:$0x4940] =	vst v63  }
0x14: {  	_ =	swait.ge [sflag:s4], $0x4000  }
0x15: {  	[sflag:s4] =	ssyncset.done $0x0  }
0x16: {  	s12 =	simm.s32 $0x20;
	s13 =	simm.s32 $0x4120;
	[sflag:s4] =	ssyncadd.s32 $0xFFFFC000  }
0x17: {  	[tilespmem:s13], [sflag:$0x1] =	stream.indirect.gather [hbm4b:s8+s12], $0x40, s7, s12, $0xb8;
	[tilespmem:$0x4940] =	vst v63  }
0x18: {  	s16 =	sshll.u32 s16, $0x8;
	_ =	swait.ge [sflag:s10], $0x800  }
0x19: {  	s14 =	sadd.s32 s16, s14;
	[sflag:s10] =	ssyncset.done $0x0  }
0x1a: {  	s30 =	ssub.s32 $0x2, s15;
	s14 =	sadd.s32 $0x30400, s14;
	[sflag:s10] =	ssyncadd.s32 $0xFFFFF800  }
0x1b: {  	[hbm4b:s14+s3] =	stream.linear.scatter [tilespmem:s13], [sflag:$0x2], $0x800, $0x38;
	[tilespmem:$0x4940] =	vst v63  }
0x1c: {  	s18 =	sshrl.u32 s30, $0x1;
	_ =	swait.ge [sflag:s4], $0x800  }
0x1d: {  	s18 =	ssub.s32 s30, s18;
	[sflag:s4] =	ssyncset.done $0x0  }
0x1e: {  	s15 =	simm.s32 $0x4920;
	s31 =	smax.u32 s18, $0x1;
	[sflag:s4] =	ssyncadd.s32 $0xFFFFF800  }
0x1f: {  	[tilespmem:s15], [sflag:$0x1] =	stream.indirect.gather [hbm4b:s2+s12], $0x1, s7, s12, $0xb8;
	[tilespmem:$0x4940] =	vst v63  }
0x20: {  	p0 =	sne.s32 s31, $0x1;
	_ =	swait.ge [sflag:s10], $0x20  }
.Ltmp0:
0x21: {  	[sflag:s10] =	ssyncset.done $0x0;
	(pc) =	sbr.rel @!p0 .LBB2_2-.Ltmp0, $4  }
0x22: {  	s16 =	sadd.s32 $0x3C00, s17;
	[sflag:s10] =	ssyncadd.s32 $0xFFFFFFE0  }
0x23: {  	[hbm4b:s16+s3] =	stream.linear.scatter [tilespmem:s15], [sflag:$0x2], $0x20, $0x38;
	[tilespmem:$0x4940] =	vst v63  }
0x24: {  	_ =	swait.ge [sflag:s4], $0x20  }
0x25: {  	s17 =	sadd.s32 $0xFFFFFFFF, s31;
	[sflag:s4] =	ssyncset.done $0x0  }
.LBB2_1:
0x26: {  	p0 =	sne.s32 s17, $0x1;
	s17 =	sadd.s32 $0xFFFFFFFF, s17;
	[sflag:s4] =	ssyncadd.s32 $0xFFFFFFE0  }
0x27: {  	[tilespmem:s3], [sflag:$0x2] =	stream.linear.gather [hbm4b:s5+s3], $0x100, $0x38;
	[tilespmem:$0x4940] =	vst v63  }
0x28: {  	_ =	swait.ge [sflag:s4], $0x100  }
0x29: {  	[sflag:s4] =	ssyncset.done $0x0  }
0x2a: {  	[sflag:s4] =	ssyncadd.s32 $0xFFFFFF00  }
0x2b: {  	[tilespmem:s7], [sflag:$0x2] =	stream.linear.gather [hbm4b:s6+s3], $0x20, $0x38;
	[tilespmem:$0x4940] =	vst v63  }
0x2c: {  	_ =	swait.ge [sflag:s4], $0x20  }
0x2d: {  	[sflag:s4] =	ssyncset.done $0x0  }
0x2e: {  	[sflag:s4] =	ssyncadd.s32 $0xFFFFFFE0  }
0x2f: {  	[tilespmem:s9], [sflag:$0x1] =	stream.indirect.gather [hbm4b:s8+s9], $0x40, s3, s9, $0xb8;
	[tilespmem:$0x4940] =	vst v63  }
0x30: {  	_ =	swait.ge [sflag:s10], $0x4000  }
0x31: {  	[sflag:s10] =	ssyncset.done $0x0  }
0x32: {  	[sflag:s10] =	ssyncadd.s32 $0xFFFFC000  }
0x33: {  	[hbm4b:s11+s3] =	stream.linear.scatter [tilespmem:s9], [sflag:$0x2], $0x4000, $0x38;
	[tilespmem:$0x4940] =	vst v63  }
0x34: {  	_ =	swait.ge [sflag:s4], $0x4000  }
0x35: {  	[sflag:s4] =	ssyncset.done $0x0  }
0x36: {  	[sflag:s4] =	ssyncadd.s32 $0xFFFFC000  }
0x37: {  	[tilespmem:s13], [sflag:$0x1] =	stream.indirect.gather [hbm4b:s8+s12], $0x40, s7, s12, $0xb8;
	[tilespmem:$0x4940] =	vst v63  }
0x38: {  	_ =	swait.ge [sflag:s10], $0x800  }
0x39: {  	[sflag:s10] =	ssyncset.done $0x0  }
0x3a: {  	[sflag:s10] =	ssyncadd.s32 $0xFFFFF800  }
0x3b: {  	[hbm4b:s14+s3] =	stream.linear.scatter [tilespmem:s13], [sflag:$0x2], $0x800, $0x38;
	[tilespmem:$0x4940] =	vst v63  }
0x3c: {  	_ =	swait.ge [sflag:s4], $0x800  }
0x3d: {  	[sflag:s4] =	ssyncset.done $0x0  }
0x3e: {  	[sflag:s4] =	ssyncadd.s32 $0xFFFFF800  }
0x3f: {  	[tilespmem:s15], [sflag:$0x1] =	stream.indirect.gather [hbm4b:s2+s12], $0x1, s7, s12, $0xb8;
	[tilespmem:$0x4940] =	vst v63  }
0x40: {  	_ =	swait.ge [sflag:s10], $0x20  }
.Ltmp1:
0x41: {  	[sflag:s10] =	ssyncset.done $0x0;
	(pc) =	sbr.rel @p0 .LBB2_1-.Ltmp1, $4  }
0x42: {  	[sflag:s10] =	ssyncadd.s32 $0xFFFFFFE0  }
0x43: {  	[hbm4b:s16+s3] =	stream.linear.scatter [tilespmem:s15], [sflag:$0x2], $0x20, $0x38;
	[tilespmem:$0x4940] =	vst v63  }
0x44: {  	_ =	swait.ge [sflag:s4], $0x20  }
0x45: {  	[sflag:s4] =	ssyncset.done $0x0  }
.LBB2_2:
0x46: {  	[sflag:s4] =	ssyncadd.s32 $0xFFFFFFE0  }
0x47: {  	_ =	sfence.sel $0x180000  }
0x48: {  	[bflag:$0x0] =	sbarrier.arrive $0xFFFF  }
0x49: {  	p0 =	sne.s32 s0, $0x0;
	_ =	strace $0x9000004D  }
0x4a: {  	s0 =	sadd.s32 @!p0 $0x100000, s1;
	[bflag:$0x2] =	sbarrier.arrive $0xFFFF  }
0x4b: {  	[sflag:s0] =	ssyncadd.tile.s32 @!p0 $0x1;
	_ =	shalt  }
.Lfunc_end2:
_tile_overlayer_lowered:
.L_overlay_start_2:
0x4c: {  	(tag) =	ssettag $0x2  }
0x4d: {  	s0 =	rddreg [dreg:$0x0];
	s2 =	stileid.u32  }
0x4e: {  	s1 =	rddreg [dreg:$0x1];
	p0 =	sne.s32 s2, $0x0  }
0x4f: {  	s3 =	rddreg [dreg:$0x2];
	[bflag:$0x3] =	sbarrier.arrive $0xFFFF;
	s2 =	simm.s32 @!p0 $0x1C02  }
0x50: {  	[timem:s3], [sflag:s2] =	dma.local @!p0 [hbm:s0], s1  }
0x51: {  	s0 =	simm.s32 @!p0 $0x2  }
0x52: {  	_ =	swait.ge @!p0 [sflag:s0], s1  }
0x53: {  	s1 =	ssub.s32 @!p0 $0x0, s1;
	[sflag:s0] =	ssyncset.done @!p0 $0x0  }
0x54: {  	[sflag:s0] =	ssyncadd.s32 @!p0 s1  }
0x55: {  	[bflag:$0x3] =	sbarrier.arrive $0xFFFF  }
0x56: {  	_ =	shalt  }

// kernel: kernel.7.cloned.1.call-start
scs
__scs_entry_jumppad:
0x0: {  	(pc) =	sbr.rel $0x88, $3  }
0x1: {  	(tag) =	ssettag $0x0;
	lr =	simm.s32 $0x1  }
0x2: {  	[smem:$0x3F9A] =	sst lr;
	_ =	strace $0xD0000000  }
0x3: {  	_ = 	snop  }
0x4: {  	_ = 	snop  }
0x5: {  	_ = 	snop  }
0x6: {  	_ = 	snop  }
0x7: {  	_ = 	snop  }
__scs_overlays_trampoline_lowered:
0x8: {  	[smem:$0x3FA9] =	sst s0  }
0x9: {  	[smem:$0x3FAA] =	sst s1  }
0xa: {  	[smem:$0x3FAB] =	sst s2  }
0xb: {  	[smem:$0x3FAC] =	sst s3  }
0xc: {  	[smem:$0x3FAD] =	sst s4  }
0xd: {  	[smem:$0x3FAE] =	sst s5  }
0xe: {  	[smem:$0x3FAF] =	sst s6  }
0xf: {  	[smem:$0x3FB0] =	sst s7  }
0x10: {  	[smem:$0x3FB1] =	sst s8  }
0x11: {  	[smem:$0x3FB2] =	sst s9;
	s0 =	simm.s32 @!p0 $0x0  }
0x12: {  	s1 =	sld [smem:$0x3F98];
	s0 =	simm.s32 @p0 $0x1  }
0x13: {  	[smem:$0x3FB3] =	sst s0;
	s0 =	simm.s32 @!p1 $0x0  }
0x14: {  	s2 =	sld [smem:$0x3F97];
	s0 =	simm.s32 @p1 $0x1  }
0x15: {  	[smem:$0x3FB4] =	sst s0;
	s0 =	simm.s32 @!p2 $0x0  }
0x16: {  	s3 =	sld [smem:$0x3FDB];
	s0 =	simm.s32 @p2 $0x1  }
0x17: {  	s4 =	simm.s32 $0x1BF5;
	[smem:$0x3FB6] =	sst s0  }
0x18: {  	s0 =	sld [smem:$0x3F99];
	_ =	swait.ge [sflag:s4], $0x0  }
0x19: {  	s7 =	sld [smem:$0x3F9A]  }
0x1a: {  	s8 =	sadd.s32 $0xFFFFE003, lr  }
0x1b: {  	s9 =	sadd.s32 $0xFFFFFEF7, lr;
	s5 =	simm.s32 $0xFFFFFFFF;
	p2 =	slt.u32 s8, $0xFFFFF086  }
0x1c: {  	p1 =	slt.u32 s9, $0xF7A;
	s5 =	simm.s32 @!p2 $0x0  }
0x1d: {  	s5 =	simm.s32 @p1 $0x1;
	p0 =	seq.s32 s7, s2  }
0x1e: {  	s7 =	smul.u32 @!p0 $0xF7A, s2;
	p2 =	seq.s32 @!p0 s5, $0x0  }
0x1f: {  	s9 =	smul.u32 $0xF7A, s1;
	s8 =	simm.s32 @!p0 $0x1BF5;
	p2 =	por !p2, p0  }
0x20: {  	[sflag:s8] =	ssyncset.s32 @!p0 $0xFFFFF086;
	s6 =	sadd.s32 @!p0 s3, s7;
	s7 =	simm.s32 @!p0 $0x108  }
0x21: {  	s3 =	sadd.s32 s3, s9;
	s6 =	sadd.s32 @!p0 $0x88, s6;
	s7 =	simm.s32 @p2 $0x1082  }
0x22: {  	[simem:s7], [sflag:s8] =	dma.local @!p0 [hbm:s6], $0xF7A  }
0x23: {  	s9 =	sor.u32 $0xD0000000, s2;
	s6 =	simm.s32 $0x108;
	_ =	swait.ge @!p0 [sflag:s8], $0x0  }
0x24: {  	s3 =	sadd.s32 $0x88, s3;
	s6 =	simm.s32 @!p1 $0x1082;
	[sflag:s4] =	ssyncset.s32 $0xFFFFF086  }
0x25: {  	[simem:s6], [sflag:s4] =	dma.local [hbm:s3], $0xF7A  }
0x26: {  	[smem:$0x3F9A] =	sst s1;
	(tag) =	ssettag s2;
	_ =	strace s9  }
0x27: {  	s1 =	sld [smem:$0x3FAA]  }
0x28: {  	s2 =	sld [smem:$0x3FAB]  }
0x29: {  	s4 =	sld [smem:$0x3FAD]  }
0x2a: {  	p0 =	seq.s32 s5, $0x0;
	s5 =	sld [smem:$0x3FAE]  }
0x2b: {  	s6 =	sld [smem:$0x3FAF]  }
0x2c: {  	s7 =	sld [smem:$0x3FB0]  }
0x2d: {  	s3 =	simm.s32 $0x108;
	s8 =	sld [smem:$0x3FB1]  }
0x2e: {  	s3 =	simm.s32 @!p0 $0x1082;
	s9 =	sld [smem:$0x3FB2]  }
0x2f: {  	lr =	sadd.s32 s0, s3;
	s0 =	sld [smem:$0x3FA9]  }
0x30: {  	s3 =	sld [smem:$0x3FAC]  }
0x31: {  	[smem:$0x3FB5] =	sst s10  }
0x32: {  	s10 =	sld [smem:$0x3FB3];
	_ =	sdelay $0x3  }
0x33: {  	p0 =	seq.s32 s10, $0x1;
	s10 =	sld [smem:$0x3FB5];
	_ =	sdelay $0x3  }
0x34: {  	[smem:$0x3FB5] =	sst s10  }
0x35: {  	s10 =	sld [smem:$0x3FB4];
	_ =	sdelay $0x3  }
0x36: {  	p1 =	seq.s32 s10, $0x1;
	s10 =	sld [smem:$0x3FB5];
	_ =	sdelay $0x3  }
0x37: {  	[smem:$0x3FB5] =	sst s10  }
0x38: {  	s10 =	sld [smem:$0x3FB6]  }
0x39: {  	_ = 	snop;
	(pc) =	sbr.ind lr, $3  }
0x3a: {  	_ = 	snop  }
0x3b: {  	_ = 	snop  }
0x3c: {  	p2 =	seq.s32 s10, $0x1;
	s10 =	sld [smem:$0x3FB5]  }
0x3d: {  	_ =	shalt  }
0x3e: {  	_ =	shalt  }
0x3f: {  	_ =	shalt  }
0x40: {  	_ =	shalt  }
0x41: {  	_ =	shalt  }
0x42: {  	_ =	shalt  }
0x43: {  	_ =	shalt  }
0x44: {  	_ =	shalt  }
0x45: {  	_ =	shalt  }
0x46: {  	_ =	shalt  }
0x47: {  	_ =	shalt  }
0x48: {  	_ =	shalt  }
0x49: {  	_ =	shalt  }
0x4a: {  	_ =	shalt  }
0x4b: {  	_ =	shalt  }
0x4c: {  	_ =	shalt  }
0x4d: {  	_ =	shalt  }
0x4e: {  	_ =	shalt  }
0x4f: {  	_ =	shalt  }
0x50: {  	_ =	shalt  }
0x51: {  	_ =	shalt  }
0x52: {  	_ =	shalt  }
0x53: {  	_ =	shalt  }
0x54: {  	_ =	shalt  }
0x55: {  	_ =	shalt  }
0x56: {  	_ =	shalt  }
0x57: {  	_ =	shalt  }
0x58: {  	_ =	shalt  }
0x59: {  	_ =	shalt  }
0x5a: {  	_ =	shalt  }
0x5b: {  	_ =	shalt  }
0x5c: {  	_ =	shalt  }
0x5d: {  	_ =	shalt  }
0x5e: {  	_ =	shalt  }
0x5f: {  	_ =	shalt  }
0x60: {  	_ =	shalt  }
0x61: {  	_ =	shalt  }
0x62: {  	_ =	shalt  }
0x63: {  	_ =	shalt  }
0x64: {  	_ =	shalt  }
0x65: {  	_ =	shalt  }
0x66: {  	_ =	shalt  }
0x67: {  	_ =	shalt  }
0x68: {  	_ =	shalt  }
0x69: {  	_ =	shalt  }
0x6a: {  	_ =	shalt  }
0x6b: {  	_ =	shalt  }
0x6c: {  	_ =	shalt  }
0x6d: {  	_ =	shalt  }
0x6e: {  	_ =	shalt  }
0x6f: {  	_ =	shalt  }
0x70: {  	_ =	shalt  }
0x71: {  	_ =	shalt  }
0x72: {  	_ =	shalt  }
0x73: {  	_ =	shalt  }
0x74: {  	_ =	shalt  }
0x75: {  	_ =	shalt  }
0x76: {  	_ =	shalt  }
0x77: {  	_ =	shalt  }
0x78: {  	_ =	shalt  }
0x79: {  	_ =	shalt  }
0x7a: {  	_ =	shalt  }
0x7b: {  	_ =	shalt  }
0x7c: {  	_ =	shalt  }
0x7d: {  	_ =	shalt  }
0x7e: {  	_ =	shalt  }
0x7f: {  	_ =	shalt  }
0x80: {  	_ =	shalt  }
0x81: {  	_ =	shalt  }
0x82: {  	_ =	shalt  }
0x83: {  	_ =	shalt  }
0x84: {  	_ =	shalt  }
0x85: {  	_ =	shalt  }
0x86: {  	_ =	shalt  }
0x87: {  	_ =	shalt  }
.Lfunc_end0:
.L_simem_size_0:
called_computation_lowered:
.L_overlay_start_0:
0x88: {  	s2 =	sld [smem:$0x3FD9]  }
0x89: {  	s3 =	sld [smem:$0x3FFE];
	_ =	sdelay $0x1  }
0x8a: {  	s1 =	srdreg.scid  }
0x8b: {  	s0 =	sand.u32 $0x1, s1  }
0x8c: {  	s17 =	sshll.u32 s0, $0xA;
	s2 =	sadd.s32 s3, s2  }
0x8d: {  	s2 =	sadd.s32 s2, s17  }
0x8e: {  	[smem:$0x3FC1] =	sst s2  }
0x8f: {  	_ = 	snop  }
0x90: {  	s2 =	sld [smem:$0x3FC7];
	(tm) =	ssettm $0x1  }
0x91: {  	s18 =	sld [smem:$0x3FFB];
	_ =	sdelay $0x3  }
0x92: {  	_ =	strace s18  }
0x93: {  	s3 =	sld [smem:$0x3FFC];
	_ =	sdelay $0x3  }
0x94: {  	_ =	strace s3  }
0x95: {  	s3 =	sld [smem:$0x3FFD];
	_ =	sdelay $0x3  }
0x96: {  	_ =	strace s3  }
0x97: {  	_ =	strace $0x8FFFFFFF  }
0x98: {  	s19 =	sld [smem:$0x3FDB];
	_ =	sdelay $0x1  }
0x99: {  	s4 =	simm.s32 $_scs_section_size  }
0x9a: {  	s5 =	simm.s32 $_size__tile_overlayer_lowered;
	s6 =	simm.s32 $_tile_overlayer_lowered  }
0x9b: {  	s22 =	simm.s32 $0x1BFF;
	s21 =	sshll.u32 s6, $0x1;
	s3 =	sadd.s32 s4, s19  }
0x9c: {  	s7 =	simm.s32 $0x0;
	s20 =	sshll.u32 s5, $0x1;
	s5 =	sadd.s32 s21, s3  }
0x9d: {  	[timem:s7], [sflag:s22] =	dma.local [hbm:s5], s20  }
0x9e: {  	_ =	swait.ge [sflag:s22], s20  }
0x9f: {  	s4 =	ssub.s32 $0x0, s20;
	[sflag:s22] =	ssyncset.done $0x0  }
0xa0: {  	[sflag:s22] =	ssyncadd.s32 s4;
	_ =	sdelay $0x1  }
0xa1: {  	s23 =	simm.s32 $0x1B8B  }
0xa2: {  	_ =	swait.ge [sflag:s23], $0x1  }
0xa3: {  	[sflag:s23] =	ssyncset.done $0x0  }
0xa4: {  	s25 =	simm.s32 $0x1B8E;
	s24 =	sld [smem:$0x3FFE];
	[sflag:s23] =	ssyncadd.s32 $0xFFFFFFFF  }
0xa5: {  	s26 =	simm.s32 $execute0_lowered;
	[smem:$0x3FD2] =	sst s25  }
0xa6: {  	s5 =	sshll.u32 s26, $0x1;
	_ =	strace $0x80000046;
	[dreg:$0x1] =	wrdreg $0xFFFFFFFF  }
0xa7: {  	s28 =	simm.s32 $_size_execute0_lowered;
	s3 =	sadd.s32 s3, s5;
	[dreg:$0x0] =	wrdreg $0x0  }
0xa8: {  	s5 =	sshll.u32 s28, $0x1;
	[dreg:$0x2] =	wrdreg s3  }
0xa9: {  	[dreg:$0x3] =	wrdreg s5  }
0xaa: {  	[dreg:$0x4] =	wrdreg $0xC0  }
0xab: {  	_ =	task [dreg:s7], $0x5FFFF  }
0xac: {  	[dreg:$0x1] =	wrdreg $0xFFFFFFFF  }
0xad: {  	[dreg:$0x0] =	wrdreg $0x60  }
0xae: {  	[dreg:$0x2] =	wrdreg s24  }
0xaf: {  	[dreg:$0x3] =	wrdreg s2  }
0xb0: {  	[dreg:$0x4] =	wrdreg $0xA  }
0xb1: {  	_ =	task.clear_ibuf [dreg:s7], $0x5FFFF;
	_ =	strace $0x90000046  }
0xb2: {  	s29 =	simm.s32 $0xA;
	_ =	strace $0x80000048  }
0xb3: {  	_ =	swait.ge [sflag:s29], $0x1  }
0xb4: {  	[sflag:s29] =	ssyncadd.s32 $0xFFFFFFFF  }
0xb5: {  	_ =	strace $0x90000048  }
0xb6: {  	_ =	sfence  }
0xb7: {  	s30 =	sld [smem:$0x0];
	_ =	sdelay $0x2  }
0xb8: {  	s31 =	sshll.u32 s1, $0xD;
	s1 =	sshrl.u32 s1, $0x2  }
0xb9: {  	s3 =	sand.u32 $0x4000, s31;
	s1 =	sadd.s32 s1, s30  }
0xba: {  	s0 =	sor.u32 s3, s0;
	s1 =	sshll.u32 s1, $0x11  }
0xbb: {  	s0 =	sor.u32 s1, s0  }
0xbc: {  	s0 =	sadd.s32 $0x8F2B, s0  }
0xbd: {  	[sflag:s0] =	ssyncadd.remote.s32 $0x1  }
0xbe: {  	_ =	sfence.sel $0xFFFF  }
0xbf: {  	[dreg:$0x0] =	wrdreg $0xFFFFFFFF;
	(pc) =	sbr.abs _section_cstart, $3  }
0xc0: {  	[dreg:$0x1] =	wrdreg $0xFFFFFFFF  }
0xc1: {  	_ =	task.clear_ibuf [dreg:s7], $0x2FFFF;
	_ =	strace $0x9FFFFFFF  }
0xc2: {  	(tm) =	ssettm $0x7FFFFFFF  }
0xc3: {  	_ =	shalt  }
tec
execute0_lowered:
.L_overlay_start_1:
0x0: {  	(tag) =	ssettag $0x1  }
0x1: {  	s1 =	srdreg.scid;
	s0 =	stileid.u32  }
0x2: {  	s12 =	sand.u32 $0x1, s1;
	s31 =	sshll.u32 s0, $0x1  }
0x3: {  	s8 =	rddreg [dreg:$0x0];
	s6 =	sor.u32 s12, s31  }
0x4: {  	s2 =	rddreg [dreg:$0x1];
	s4 =	smul.u32 $0xC, s6  }
0x5: {  	s3 =	simm.s32 $0x0;
	s1 =	rddreg [dreg:$0x2]  }
0x6: {  	[smem:$0x7FF] =	sst s3;
	s11 =	sadd.s32 s4, s8  }
0x7: {  	_ =	strace $0x80000047;
	s4 =	simm.s32 $0x2;
	s5 =	sadd.s32 $0x5600, s11  }
0x8: {  	[tilespmem:s3], [sflag:$0x2] =	stream.linear.gather [hbm4b:s5+s3], $0x60, $0x38;
	[tilespmem:$0x100] =	vst v63  }
0x9: {  	s6 =	sshll.u32 s6, $0x2;
	_ =	swait.ge [sflag:s4], $0x60  }
0xa: {  	s14 =	sadd.s32 s6, s8;
	[sflag:s4] =	ssyncset.done $0x0  }
0xb: {  	s7 =	simm.s32 $0xC0;
	s6 =	sadd.s32 $0x5400, s14;
	[sflag:s4] =	ssyncadd.s32 $0xFFFFFFA0  }
0xc: {  	[tilespmem:s7], [sflag:$0x2] =	stream.linear.gather [hbm4b:s6+s3], $0x20, $0x38;
	[tilespmem:$0x100] =	vst v63  }
0xd: {  	_ =	swait.ge [sflag:s4], $0x20  }
0xe: {  	s9 =	simm.s32 $0x60;
	[sflag:s4] =	ssyncset.done $0x0  }
0xf: {  	s10 =	simm.s32 $0x1;
	s8 =	sadd.s32 $0x3600, s8;
	[sflag:s4] =	ssyncadd.s32 $0xFFFFFFE0  }
0x10: {  	[tilespmem:s9], [sflag:$0x1] =	stream.indirect.gather [hbm4b:s8+s9], $0x1, s3, s9, $0xb8;
	[tilespmem:$0x100] =	vst v63  }
0x11: {  	_ =	swait.ge [sflag:s10], $0x60  }
0x12: {  	[sflag:s10] =	ssyncset.done $0x0  }
0x13: {  	s15 =	ssub.s32 $0x2, s12;
	s11 =	sadd.s32 $0x5800, s11;
	[sflag:s10] =	ssyncadd.s32 $0xFFFFFFA0  }
0x14: {  	[hbm4b:s11+s3] =	stream.linear.scatter [tilespmem:s9], [sflag:$0x2], $0x60, $0x38;
	[tilespmem:$0x100] =	vst v63  }
0x15: {  	s16 =	sshrl.u32 s15, $0x1;
	_ =	swait.ge [sflag:s4], $0x60  }
0x16: {  	s13 =	simm.s32 $0xE0;
	s15 =	ssub.s32 s15, s16;
	[sflag:s4] =	ssyncset.done $0x0  }
0x17: {  	s12 =	simm.s32 $0x20;
	s15 =	smax.u32 s15, $0x1;
	[sflag:s4] =	ssyncadd.s32 $0xFFFFFFA0  }
0x18: {  	[tilespmem:s13], [sflag:$0x1] =	stream.indirect.gather [hbm4b:s2+s12], $0x1, s7, s12, $0xb8;
	[tilespmem:$0x100] =	vst v63  }
0x19: {  	p0 =	sne.s32 s15, $0x1;
	_ =	swait.ge [sflag:s10], $0x20  }
.Ltmp0:
0x1a: {  	[sflag:s10] =	ssyncset.done $0x0;
	(pc) =	sbr.rel @!p0 .LBB2_2-.Ltmp0, $4  }
0x1b: {  	s14 =	sadd.s32 $0x5A00, s14;
	[sflag:s10] =	ssyncadd.s32 $0xFFFFFFE0  }
0x1c: {  	[hbm4b:s14+s3] =	stream.linear.scatter [tilespmem:s13], [sflag:$0x2], $0x20, $0x38;
	[tilespmem:$0x100] =	vst v63  }
0x1d: {  	_ =	swait.ge [sflag:s4], $0x20  }
0x1e: {  	s15 =	sadd.s32 $0xFFFFFFFF, s15;
	[sflag:s4] =	ssyncset.done $0x0  }
.LBB2_1:
0x1f: {  	p0 =	sne.s32 s15, $0x1;
	s15 =	sadd.s32 $0xFFFFFFFF, s15;
	[sflag:s4] =	ssyncadd.s32 $0xFFFFFFE0  }
0x20: {  	[tilespmem:s3], [sflag:$0x2] =	stream.linear.gather [hbm4b:s5+s3], $0x60, $0x38;
	[tilespmem:$0x100] =	vst v63  }
0x21: {  	_ =	swait.ge [sflag:s4], $0x60  }
0x22: {  	[sflag:s4] =	ssyncset.done $0x0  }
0x23: {  	[sflag:s4] =	ssyncadd.s32 $0xFFFFFFA0  }
0x24: {  	[tilespmem:s7], [sflag:$0x2] =	stream.linear.gather [hbm4b:s6+s3], $0x20, $0x38;
	[tilespmem:$0x100] =	vst v63  }
0x25: {  	_ =	swait.ge [sflag:s4], $0x20  }
0x26: {  	[sflag:s4] =	ssyncset.done $0x0  }
0x27: {  	[sflag:s4] =	ssyncadd.s32 $0xFFFFFFE0  }
0x28: {  	[tilespmem:s9], [sflag:$0x1] =	stream.indirect.gather [hbm4b:s8+s9], $0x1, s3, s9, $0xb8;
	[tilespmem:$0x100] =	vst v63  }
0x29: {  	_ =	swait.ge [sflag:s10], $0x60  }
0x2a: {  	[sflag:s10] =	ssyncset.done $0x0  }
0x2b: {  	[sflag:s10] =	ssyncadd.s32 $0xFFFFFFA0  }
0x2c: {  	[hbm4b:s11+s3] =	stream.linear.scatter [tilespmem:s9], [sflag:$0x2], $0x60, $0x38;
	[tilespmem:$0x100] =	vst v63  }
0x2d: {  	_ =	swait.ge [sflag:s4], $0x60  }
0x2e: {  	[sflag:s4] =	ssyncset.done $0x0  }
0x2f: {  	[sflag:s4] =	ssyncadd.s32 $0xFFFFFFA0  }
0x30: {  	[tilespmem:s13], [sflag:$0x1] =	stream.indirect.gather [hbm4b:s2+s12], $0x1, s7, s12, $0xb8;
	[tilespmem:$0x100] =	vst v63  }
0x31: {  	_ =	swait.ge [sflag:s10], $0x20  }
.Ltmp1:
0x32: {  	[sflag:s10] =	ssyncset.done $0x0;
	(pc) =	sbr.rel @p0 .LBB2_1-.Ltmp1, $4  }
0x33: {  	[sflag:s10] =	ssyncadd.s32 $0xFFFFFFE0  }
0x34: {  	[hbm4b:s14+s3] =	stream.linear.scatter [tilespmem:s13], [sflag:$0x2], $0x20, $0x38;
	[tilespmem:$0x100] =	vst v63  }
0x35: {  	_ =	swait.ge [sflag:s4], $0x20  }
0x36: {  	[sflag:s4] =	ssyncset.done $0x0  }
.LBB2_2:
0x37: {  	[sflag:s4] =	ssyncadd.s32 $0xFFFFFFE0  }
0x38: {  	_ =	sfence.sel $0x180000  }
0x39: {  	[bflag:$0x0] =	sbarrier.arrive $0xFFFF  }
0x3a: {  	p0 =	sne.s32 s0, $0x0;
	_ =	strace $0x90000047  }
0x3b: {  	s0 =	sadd.s32 @!p0 $0x100000, s1;
	[bflag:$0x2] =	sbarrier.arrive $0xFFFF  }
0x3c: {  	[sflag:s0] =	ssyncadd.tile.s32 @!p0 $0x1;
	_ =	shalt  }
.Lfunc_end2:
_tile_overlayer_lowered:
.L_overlay_start_2:
0x3d: {  	(tag) =	ssettag $0x2  }
0x3e: {  	s0 =	rddreg [dreg:$0x0];
	s2 =	stileid.u32  }
0x3f: {  	s1 =	rddreg [dreg:$0x1];
	p0 =	sne.s32 s2, $0x0  }
0x40: {  	s3 =	rddreg [dreg:$0x2];
	[bflag:$0x3] =	sbarrier.arrive $0xFFFF;
	s2 =	simm.s32 @!p0 $0x1C02  }
0x41: {  	[timem:s3], [sflag:s2] =	dma.local @!p0 [hbm:s0], s1  }
0x42: {  	s0 =	simm.s32 @!p0 $0x2  }
0x43: {  	_ =	swait.ge @!p0 [sflag:s0], s1  }
0x44: {  	s1 =	ssub.s32 @!p0 $0x0, s1;
	[sflag:s0] =	ssyncset.done @!p0 $0x0  }
0x45: {  	[sflag:s0] =	ssyncadd.s32 @!p0 s1  }
0x46: {  	[bflag:$0x3] =	sbarrier.arrive $0xFFFF  }
0x47: {  	_ =	shalt  }

</sc_bundles>
